<compile_context>
chip_gen: v7x
topology: tpu7x:2x2x1
jax: 0.10.2.dev20260603
libtpu: 0.0.44.dev20260713+nightly
codegen_flags: <defaults>
</compile_context>

<pallas_src>
import math

import jax
import jax.numpy as jnp
from jax import lax
from jax.experimental import pallas as pl
from jax.experimental.pallas import tpu as pltpu
from jax.experimental.pallas import tpu_sc as plsc

VOCAB = 1000000
HIDDEN = 64
PADDED = 128
BATCH = 4096
HIST = 200

NC = 2
NS = 16
NW = NC * NS
LANES = 16

B_TOTAL = BATCH * HIST
B_PER_W = B_TOTAL // NW
CHUNK = 128
NCHUNK = B_PER_W // CHUNK
NBUF = 8

EMB_SCALE = math.sqrt(HIDDEN)


def _sc_body(idx_hbm, table_hbm, out_hbm, idx_all, bufs, gsems, osems):
    wid = lax.axis_index("s") * NC + lax.axis_index("c")

    pltpu.sync_copy(idx_hbm.at[wid], idx_all)

    base = wid * B_PER_W

    def start_gather(g, b):
        pltpu.make_async_copy(
            table_hbm.at[idx_all.at[g]], bufs[b], gsems[b]
        ).start()

    def wait_gather(b):
        pltpu.make_async_copy(
            table_hbm.at[idx_all.at[0]], bufs[b], gsems[b]
        ).wait()

    def start_write(g, b):
        pltpu.make_async_copy(
            bufs[b],
            out_hbm.at[pl.ds(base + g * CHUNK, CHUNK), pl.ds(0, HIDDEN)],
            osems[b],
        ).start()

    def wait_write(b):
        pltpu.make_async_copy(
            bufs[b],
            out_hbm.at[pl.ds(base, CHUNK), pl.ds(0, HIDDEN)],
            osems[b],
        ).wait()

    for g in range(NBUF):
        start_gather(g, g)
    for g in range(NBUF):
        wait_gather(g)
        start_write(g, g)

    def steady(i, _):
        g0 = NBUF + NBUF * i
        for b in range(NBUF):
            g = g0 + b
            wait_write(b)
            start_gather(g, b)
        for b in range(NBUF):
            g = g0 + b
            wait_gather(b)
            start_write(g, b)
        return 0

    lax.fori_loop(0, NCHUNK // NBUF - 1, steady, 0)

    for b in range(NBUF):
        wait_write(b)


@jax.jit
def _emb_lookup(idx_grouped, table_rows):
    mesh = plsc.VectorSubcoreMesh(core_axis_name="c", subcore_axis_name="s")
    run = pl.kernel(
        _sc_body,
        out_type=jax.ShapeDtypeStruct((B_TOTAL, PADDED), jnp.float32),
        mesh=mesh,
        scratch_types=[
            pltpu.VMEM((NCHUNK, CHUNK), jnp.int32),
            [pltpu.VMEM((CHUNK, HIDDEN), jnp.float32) for _ in range(NBUF)],
            [pltpu.SemaphoreType.DMA for _ in range(NBUF)],
            [pltpu.SemaphoreType.DMA for _ in range(NBUF)],
        ],
        compiler_params=pltpu.CompilerParams(use_tc_tiling_on_sc=False),
    )
    return run(idx_grouped, table_rows)


def kernel(input_ids, table):
    table_rows = (
        jnp.pad(table, ((0, 0), (0, PADDED - HIDDEN))) * EMB_SCALE
    ).reshape(2 * VOCAB, HIDDEN)
    idx_grouped = (input_ids.astype(jnp.int32) * 2).reshape(NW, NCHUNK, CHUNK)
    out = _emb_lookup(idx_grouped, table_rows)
    return out.reshape(BATCH, HIST, PADDED)[..., :HIDDEN]

# --- scband reference (transcript-rebuilt; emitter-appended) ---
"""Pipeline reference for scband-embedding-layer-7292854469025 (READ-ONLY COPY).

The authoritative reference and input builder live on the scoring server;
editing this copy changes nothing except your own understanding.
"""

import jax, jax.numpy as jnp
import numpy as np
import math

VOCAB = 1000000
HIDDEN = 64
BATCH = 4096
HIST = 200

def setup_inputs(seed: int = 0) -> dict:
    key = jax.random.key(seed)
    k1, k2 = jax.random.split(key)
    input_ids = jax.random.randint(k1, (BATCH, HIST), 0, VOCAB, dtype=jnp.int64 if jax.config.jax_enable_x64 else jnp.int32)
    table = jax.random.normal(k2, (VOCAB, HIDDEN), dtype=jnp.float32) * 0.02
    return {"input_ids": input_ids, "table": table}

def reference(input_ids, table):
    emb_scale = math.sqrt(HIDDEN)
    embeddings = jnp.take(table, input_ids, axis=0) * emb_scale
    # dropout p=0.0 -> identity
    return embeddings

if __name__ == "__main__":
    import jax
    _d = setup_inputs()
    print(jax.jit(kernel)(*tuple(_d.values())))

</pallas_src>

<mosaic_0001>
#map = affine_map<(d0, d1) -> (0, 0, 0)>
#map1 = affine_map<(d0, d1) -> (0, 0)>
module attributes {stable_mosaic.version = 14 : i64} {
  func.func @_sc_body(%arg0: i32, %arg1: i32, %arg2: memref<32x200x128xi32, #tpu.memory_space<hbm>>, %arg3: memref<2000000x64xf32, #tpu.memory_space<hbm>>, %arg4: memref<819200x128xf32, #tpu.memory_space<hbm>>, %arg5: memref<200x128xi32, #tpu.memory_space<vmem>>, %arg6: memref<128x64xf32, #tpu.memory_space<vmem>>, %arg7: memref<128x64xf32, #tpu.memory_space<vmem>>, %arg8: memref<128x64xf32, #tpu.memory_space<vmem>>, %arg9: memref<128x64xf32, #tpu.memory_space<vmem>>, %arg10: memref<128x64xf32, #tpu.memory_space<vmem>>, %arg11: memref<128x64xf32, #tpu.memory_space<vmem>>, %arg12: memref<128x64xf32, #tpu.memory_space<vmem>>, %arg13: memref<128x64xf32, #tpu.memory_space<vmem>>, %arg14: memref<!tpu.dma_semaphore, #tpu.memory_space<semaphore_mem>>, %arg15: memref<!tpu.dma_semaphore, #tpu.memory_space<semaphore_mem>>, %arg16: memref<!tpu.dma_semaphore, #tpu.memory_space<semaphore_mem>>, %arg17: memref<!tpu.dma_semaphore, #tpu.memory_space<semaphore_mem>>, %arg18: memref<!tpu.dma_semaphore, #tpu.memory_space<semaphore_mem>>, %arg19: memref<!tpu.dma_semaphore, #tpu.memory_space<semaphore_mem>>, %arg20: memref<!tpu.dma_semaphore, #tpu.memory_space<semaphore_mem>>, %arg21: memref<!tpu.dma_semaphore, #tpu.memory_space<semaphore_mem>>, %arg22: memref<!tpu.dma_semaphore, #tpu.memory_space<semaphore_mem>>, %arg23: memref<!tpu.dma_semaphore, #tpu.memory_space<semaphore_mem>>, %arg24: memref<!tpu.dma_semaphore, #tpu.memory_space<semaphore_mem>>, %arg25: memref<!tpu.dma_semaphore, #tpu.memory_space<semaphore_mem>>, %arg26: memref<!tpu.dma_semaphore, #tpu.memory_space<semaphore_mem>>, %arg27: memref<!tpu.dma_semaphore, #tpu.memory_space<semaphore_mem>>, %arg28: memref<!tpu.dma_semaphore, #tpu.memory_space<semaphore_mem>>, %arg29: memref<!tpu.dma_semaphore, #tpu.memory_space<semaphore_mem>>) attributes {dimension_semantics = [#tpu.dimension_semantics<core_parallel>, #tpu.dimension_semantics<subcore_parallel>], iteration_bounds = array<i64: 2, 16>, scalar_prefetch = 0 : i64, scratch_operands = 25 : i64, tpu.core_type = #tpu.core_type<sc_vector_subcore>, window_params = [{transform_indices = #map}, {transform_indices = #map1}, {transform_indices = #map1}]} {
    %mul3A = arith.constant 2 : i32
    %mul3A_0 = arith.muli %arg1, %mul3A : i32
    %add3A = arith.addi %mul3A_0, %arg0 : i32
    "tpu.region"() ({
      %run_scoped3A = tpu.sem_alloc : memref<!tpu.dma_semaphore, #tpu.memory_space<semaphore_mem>>
      %dma_start3A_199 = arith.constant 0 : i32
      %dma_start3A_200 = arith.constant 0 : i32
      %dma_start3A_201 = tpu.memref_slice %arg2[%add3A, %dma_start3A_199, %dma_start3A_200] : memref<32x200x128xi32, #tpu.memory_space<hbm>> -> memref<1x200x128xi32, #tpu.memory_space<hbm>>
      %dma_start3A_202 = tpu.memref_squeeze %dma_start3A_201 : memref<1x200x128xi32, #tpu.memory_space<hbm>> -> memref<200x128xi32, #tpu.memory_space<hbm>>
      %dma_start3A_203 = arith.constant 0 : i32
      %dma_start3A_204 = arith.constant 0 : i32
      %dma_start3A_205 = tpu.memref_slice %arg2[%add3A, %dma_start3A_203, %dma_start3A_204] : memref<32x200x128xi32, #tpu.memory_space<hbm>> -> memref<1x200x128xi32, #tpu.memory_space<hbm>>
      %dma_start3A_206 = tpu.memref_squeeze %dma_start3A_205 : memref<1x200x128xi32, #tpu.memory_space<hbm>> -> memref<200x128xi32, #tpu.memory_space<hbm>>
      tpu.enqueue_dma source(%dma_start3A_206 : memref<200x128xi32, #tpu.memory_space<hbm>>) target(%arg5 : memref<200x128xi32, #tpu.memory_space<vmem>>) target_semaphore(%run_scoped3A : memref<!tpu.dma_semaphore, #tpu.memory_space<semaphore_mem>>)
      %dma_wait3A_207 = arith.constant 0 : i32
      %dma_wait3A_208 = arith.constant 0 : i32
      %dma_wait3A_209 = tpu.memref_slice %arg2[%add3A, %dma_wait3A_207, %dma_wait3A_208] : memref<32x200x128xi32, #tpu.memory_space<hbm>> -> memref<1x200x128xi32, #tpu.memory_space<hbm>>
      %dma_wait3A_210 = tpu.memref_squeeze %dma_wait3A_209 : memref<1x200x128xi32, #tpu.memory_space<hbm>> -> memref<200x128xi32, #tpu.memory_space<hbm>>
      %dma_wait3A_211 = arith.constant 0 : i32
      %dma_wait3A_212 = arith.constant 0 : i32
      %dma_wait3A_213 = tpu.memref_slice %arg2[%add3A, %dma_wait3A_211, %dma_wait3A_212] : memref<32x200x128xi32, #tpu.memory_space<hbm>> -> memref<1x200x128xi32, #tpu.memory_space<hbm>>
      %dma_wait3A_214 = tpu.memref_squeeze %dma_wait3A_213 : memref<1x200x128xi32, #tpu.memory_space<hbm>> -> memref<200x128xi32, #tpu.memory_space<hbm>>
      tpu.wait_dma2 semaphore(%run_scoped3A : memref<!tpu.dma_semaphore, #tpu.memory_space<semaphore_mem>>) src(%dma_wait3A_214 : memref<200x128xi32, #tpu.memory_space<hbm>>) dst(%arg5 : memref<200x128xi32, #tpu.memory_space<vmem>>)
      tpu.yield
    }) : () -> ()
    %mul3A_1 = arith.constant 25600 : i32
    %mul3A_2 = arith.muli %add3A, %mul3A_1 : i32
    %dma_start3A = arith.constant 0 : i32
    %dma_start3A_3 = arith.constant 0 : i32
    %dma_start3A_4 = tpu.memref_slice %arg5[%dma_start3A, %dma_start3A_3] : memref<200x128xi32, #tpu.memory_space<vmem>> -> memref<1x128xi32, #tpu.memory_space<vmem>>
    %dma_start3A_5 = tpu.memref_squeeze %dma_start3A_4 : memref<1x128xi32, #tpu.memory_space<vmem>> -> memref<128xi32, #tpu.memory_space<vmem>>
    %dma_start3A_6 = arith.constant 0 : i32
    %dma_start3A_7 = arith.constant 0 : i32
    %dma_start3A_8 = tpu.memref_slice %arg3[%dma_start3A_6, %dma_start3A_7] : memref<2000000x64xf32, #tpu.memory_space<hbm>> -> memref<2000000x64xf32, #tpu.memory_space<hbm>>
    tpu.enqueue_indirect_dma source(%dma_start3A_8 : memref<2000000x64xf32, #tpu.memory_space<hbm>>) target(%arg6 : memref<128x64xf32, #tpu.memory_space<vmem>>) offsets(%dma_start3A_5 : memref<128xi32, #tpu.memory_space<vmem>>) semaphore(%arg14 : memref<!tpu.dma_semaphore, #tpu.memory_space<semaphore_mem>>)
    %dma_start3A_9 = arith.constant 1 : i32
    %dma_start3A_10 = arith.constant 0 : i32
    %dma_start3A_11 = tpu.memref_slice %arg5[%dma_start3A_9, %dma_start3A_10] : memref<200x128xi32, #tpu.memory_space<vmem>> -> memref<1x128xi32, #tpu.memory_space<vmem>>
    %dma_start3A_12 = tpu.memref_squeeze %dma_start3A_11 : memref<1x128xi32, #tpu.memory_space<vmem>> -> memref<128xi32, #tpu.memory_space<vmem>>
    %dma_start3A_13 = arith.constant 0 : i32
    %dma_start3A_14 = arith.constant 0 : i32
    %dma_start3A_15 = tpu.memref_slice %arg3[%dma_start3A_13, %dma_start3A_14] : memref<2000000x64xf32, #tpu.memory_space<hbm>> -> memref<2000000x64xf32, #tpu.memory_space<hbm>>
    tpu.enqueue_indirect_dma source(%dma_start3A_15 : memref<2000000x64xf32, #tpu.memory_space<hbm>>) target(%arg7 : memref<128x64xf32, #tpu.memory_space<vmem>>) offsets(%dma_start3A_12 : memref<128xi32, #tpu.memory_space<vmem>>) semaphore(%arg15 : memref<!tpu.dma_semaphore, #tpu.memory_space<semaphore_mem>>)
    %dma_start3A_16 = arith.constant 2 : i32
    %dma_start3A_17 = arith.constant 0 : i32
    %dma_start3A_18 = tpu.memref_slice %arg5[%dma_start3A_16, %dma_start3A_17] : memref<200x128xi32, #tpu.memory_space<vmem>> -> memref<1x128xi32, #tpu.memory_space<vmem>>
    %dma_start3A_19 = tpu.memref_squeeze %dma_start3A_18 : memref<1x128xi32, #tpu.memory_space<vmem>> -> memref<128xi32, #tpu.memory_space<vmem>>
    %dma_start3A_20 = arith.constant 0 : i32
    %dma_start3A_21 = arith.constant 0 : i32
    %dma_start3A_22 = tpu.memref_slice %arg3[%dma_start3A_20, %dma_start3A_21] : memref<2000000x64xf32, #tpu.memory_space<hbm>> -> memref<2000000x64xf32, #tpu.memory_space<hbm>>
    tpu.enqueue_indirect_dma source(%dma_start3A_22 : memref<2000000x64xf32, #tpu.memory_space<hbm>>) target(%arg8 : memref<128x64xf32, #tpu.memory_space<vmem>>) offsets(%dma_start3A_19 : memref<128xi32, #tpu.memory_space<vmem>>) semaphore(%arg16 : memref<!tpu.dma_semaphore, #tpu.memory_space<semaphore_mem>>)
    %dma_start3A_23 = arith.constant 3 : i32
    %dma_start3A_24 = arith.constant 0 : i32
    %dma_start3A_25 = tpu.memref_slice %arg5[%dma_start3A_23, %dma_start3A_24] : memref<200x128xi32, #tpu.memory_space<vmem>> -> memref<1x128xi32, #tpu.memory_space<vmem>>
    %dma_start3A_26 = tpu.memref_squeeze %dma_start3A_25 : memref<1x128xi32, #tpu.memory_space<vmem>> -> memref<128xi32, #tpu.memory_space<vmem>>
    %dma_start3A_27 = arith.constant 0 : i32
    %dma_start3A_28 = arith.constant 0 : i32
    %dma_start3A_29 = tpu.memref_slice %arg3[%dma_start3A_27, %dma_start3A_28] : memref<2000000x64xf32, #tpu.memory_space<hbm>> -> memref<2000000x64xf32, #tpu.memory_space<hbm>>
    tpu.enqueue_indirect_dma source(%dma_start3A_29 : memref<2000000x64xf32, #tpu.memory_space<hbm>>) target(%arg9 : memref<128x64xf32, #tpu.memory_space<vmem>>) offsets(%dma_start3A_26 : memref<128xi32, #tpu.memory_space<vmem>>) semaphore(%arg17 : memref<!tpu.dma_semaphore, #tpu.memory_space<semaphore_mem>>)
    %dma_start3A_30 = arith.constant 4 : i32
    %dma_start3A_31 = arith.constant 0 : i32
    %dma_start3A_32 = tpu.memref_slice %arg5[%dma_start3A_30, %dma_start3A_31] : memref<200x128xi32, #tpu.memory_space<vmem>> -> memref<1x128xi32, #tpu.memory_space<vmem>>
    %dma_start3A_33 = tpu.memref_squeeze %dma_start3A_32 : memref<1x128xi32, #tpu.memory_space<vmem>> -> memref<128xi32, #tpu.memory_space<vmem>>
    %dma_start3A_34 = arith.constant 0 : i32
    %dma_start3A_35 = arith.constant 0 : i32
    %dma_start3A_36 = tpu.memref_slice %arg3[%dma_start3A_34, %dma_start3A_35] : memref<2000000x64xf32, #tpu.memory_space<hbm>> -> memref<2000000x64xf32, #tpu.memory_space<hbm>>
    tpu.enqueue_indirect_dma source(%dma_start3A_36 : memref<2000000x64xf32, #tpu.memory_space<hbm>>) target(%arg10 : memref<128x64xf32, #tpu.memory_space<vmem>>) offsets(%dma_start3A_33 : memref<128xi32, #tpu.memory_space<vmem>>) semaphore(%arg18 : memref<!tpu.dma_semaphore, #tpu.memory_space<semaphore_mem>>)
    %dma_start3A_37 = arith.constant 5 : i32
    %dma_start3A_38 = arith.constant 0 : i32
    %dma_start3A_39 = tpu.memref_slice %arg5[%dma_start3A_37, %dma_start3A_38] : memref<200x128xi32, #tpu.memory_space<vmem>> -> memref<1x128xi32, #tpu.memory_space<vmem>>
    %dma_start3A_40 = tpu.memref_squeeze %dma_start3A_39 : memref<1x128xi32, #tpu.memory_space<vmem>> -> memref<128xi32, #tpu.memory_space<vmem>>
    %dma_start3A_41 = arith.constant 0 : i32
    %dma_start3A_42 = arith.constant 0 : i32
    %dma_start3A_43 = tpu.memref_slice %arg3[%dma_start3A_41, %dma_start3A_42] : memref<2000000x64xf32, #tpu.memory_space<hbm>> -> memref<2000000x64xf32, #tpu.memory_space<hbm>>
    tpu.enqueue_indirect_dma source(%dma_start3A_43 : memref<2000000x64xf32, #tpu.memory_space<hbm>>) target(%arg11 : memref<128x64xf32, #tpu.memory_space<vmem>>) offsets(%dma_start3A_40 : memref<128xi32, #tpu.memory_space<vmem>>) semaphore(%arg19 : memref<!tpu.dma_semaphore, #tpu.memory_space<semaphore_mem>>)
    %dma_start3A_44 = arith.constant 6 : i32
    %dma_start3A_45 = arith.constant 0 : i32
    %dma_start3A_46 = tpu.memref_slice %arg5[%dma_start3A_44, %dma_start3A_45] : memref<200x128xi32, #tpu.memory_space<vmem>> -> memref<1x128xi32, #tpu.memory_space<vmem>>
    %dma_start3A_47 = tpu.memref_squeeze %dma_start3A_46 : memref<1x128xi32, #tpu.memory_space<vmem>> -> memref<128xi32, #tpu.memory_space<vmem>>
    %dma_start3A_48 = arith.constant 0 : i32
    %dma_start3A_49 = arith.constant 0 : i32
    %dma_start3A_50 = tpu.memref_slice %arg3[%dma_start3A_48, %dma_start3A_49] : memref<2000000x64xf32, #tpu.memory_space<hbm>> -> memref<2000000x64xf32, #tpu.memory_space<hbm>>
    tpu.enqueue_indirect_dma source(%dma_start3A_50 : memref<2000000x64xf32, #tpu.memory_space<hbm>>) target(%arg12 : memref<128x64xf32, #tpu.memory_space<vmem>>) offsets(%dma_start3A_47 : memref<128xi32, #tpu.memory_space<vmem>>) semaphore(%arg20 : memref<!tpu.dma_semaphore, #tpu.memory_space<semaphore_mem>>)
    %dma_start3A_51 = arith.constant 7 : i32
    %dma_start3A_52 = arith.constant 0 : i32
    %dma_start3A_53 = tpu.memref_slice %arg5[%dma_start3A_51, %dma_start3A_52] : memref<200x128xi32, #tpu.memory_space<vmem>> -> memref<1x128xi32, #tpu.memory_space<vmem>>
    %dma_start3A_54 = tpu.memref_squeeze %dma_start3A_53 : memref<1x128xi32, #tpu.memory_space<vmem>> -> memref<128xi32, #tpu.memory_space<vmem>>
    %dma_start3A_55 = arith.constant 0 : i32
    %dma_start3A_56 = arith.constant 0 : i32
    %dma_start3A_57 = tpu.memref_slice %arg3[%dma_start3A_55, %dma_start3A_56] : memref<2000000x64xf32, #tpu.memory_space<hbm>> -> memref<2000000x64xf32, #tpu.memory_space<hbm>>
    tpu.enqueue_indirect_dma source(%dma_start3A_57 : memref<2000000x64xf32, #tpu.memory_space<hbm>>) target(%arg13 : memref<128x64xf32, #tpu.memory_space<vmem>>) offsets(%dma_start3A_54 : memref<128xi32, #tpu.memory_space<vmem>>) semaphore(%arg21 : memref<!tpu.dma_semaphore, #tpu.memory_space<semaphore_mem>>)
    %dma_wait3A = arith.constant 0 : i32
    %dma_wait3A_58 = arith.constant 0 : i32
    %dma_wait3A_59 = tpu.memref_slice %arg5[%dma_wait3A, %dma_wait3A_58] : memref<200x128xi32, #tpu.memory_space<vmem>> -> memref<1x128xi32, #tpu.memory_space<vmem>>
    %dma_wait3A_60 = tpu.memref_squeeze %dma_wait3A_59 : memref<1x128xi32, #tpu.memory_space<vmem>> -> memref<128xi32, #tpu.memory_space<vmem>>
    %dma_wait3A_61 = arith.constant 0 : i32
    %dma_wait3A_62 = arith.constant 0 : i32
    %dma_wait3A_63 = tpu.memref_slice %arg3[%dma_wait3A_61, %dma_wait3A_62] : memref<2000000x64xf32, #tpu.memory_space<hbm>> -> memref<2000000x64xf32, #tpu.memory_space<hbm>>
    tpu.wait_indirect_dma semaphore(%arg14 : memref<!tpu.dma_semaphore, #tpu.memory_space<semaphore_mem>>) src(%dma_wait3A_63 : memref<2000000x64xf32, #tpu.memory_space<hbm>>) dst(%arg6 : memref<128x64xf32, #tpu.memory_space<vmem>>)
    %add3A_64 = arith.constant 0 : i32
    %add3A_65 = arith.addi %mul3A_2, %add3A_64 : i32
    %dma_start3A_66 = arith.constant 0 : i32
    %dma_start3A_67 = tpu.memref_slice %arg4[%add3A_65, %dma_start3A_66] : memref<819200x128xf32, #tpu.memory_space<hbm>> -> memref<128x64xf32, #tpu.memory_space<hbm>>
    %dma_start3A_68 = arith.constant 0 : i32
    %dma_start3A_69 = tpu.memref_slice %arg4[%add3A_65, %dma_start3A_68] : memref<819200x128xf32, #tpu.memory_space<hbm>> -> memref<128x64xf32, #tpu.memory_space<hbm>>
    tpu.enqueue_dma source(%arg6 : memref<128x64xf32, #tpu.memory_space<vmem>>) target(%dma_start3A_69 : memref<128x64xf32, #tpu.memory_space<hbm>>) target_semaphore(%arg22 : memref<!tpu.dma_semaphore, #tpu.memory_space<semaphore_mem>>)
    %dma_wait3A_70 = arith.constant 0 : i32
    %dma_wait3A_71 = arith.constant 0 : i32
    %dma_wait3A_72 = tpu.memref_slice %arg5[%dma_wait3A_70, %dma_wait3A_71] : memref<200x128xi32, #tpu.memory_space<vmem>> -> memref<1x128xi32, #tpu.memory_space<vmem>>
    %dma_wait3A_73 = tpu.memref_squeeze %dma_wait3A_72 : memref<1x128xi32, #tpu.memory_space<vmem>> -> memref<128xi32, #tpu.memory_space<vmem>>
    %dma_wait3A_74 = arith.constant 0 : i32
    %dma_wait3A_75 = arith.constant 0 : i32
    %dma_wait3A_76 = tpu.memref_slice %arg3[%dma_wait3A_74, %dma_wait3A_75] : memref<2000000x64xf32, #tpu.memory_space<hbm>> -> memref<2000000x64xf32, #tpu.memory_space<hbm>>
    tpu.wait_indirect_dma semaphore(%arg15 : memref<!tpu.dma_semaphore, #tpu.memory_space<semaphore_mem>>) src(%dma_wait3A_76 : memref<2000000x64xf32, #tpu.memory_space<hbm>>) dst(%arg7 : memref<128x64xf32, #tpu.memory_space<vmem>>)
    %add3A_77 = arith.constant 128 : i32
    %add3A_78 = arith.addi %mul3A_2, %add3A_77 : i32
    %dma_start3A_79 = arith.constant 0 : i32
    %dma_start3A_80 = tpu.memref_slice %arg4[%add3A_78, %dma_start3A_79] : memref<819200x128xf32, #tpu.memory_space<hbm>> -> memref<128x64xf32, #tpu.memory_space<hbm>>
    %dma_start3A_81 = arith.constant 0 : i32
    %dma_start3A_82 = tpu.memref_slice %arg4[%add3A_78, %dma_start3A_81] : memref<819200x128xf32, #tpu.memory_space<hbm>> -> memref<128x64xf32, #tpu.memory_space<hbm>>
    tpu.enqueue_dma source(%arg7 : memref<128x64xf32, #tpu.memory_space<vmem>>) target(%dma_start3A_82 : memref<128x64xf32, #tpu.memory_space<hbm>>) target_semaphore(%arg23 : memref<!tpu.dma_semaphore, #tpu.memory_space<semaphore_mem>>)
    %dma_wait3A_83 = arith.constant 0 : i32
    %dma_wait3A_84 = arith.constant 0 : i32
    %dma_wait3A_85 = tpu.memref_slice %arg5[%dma_wait3A_83, %dma_wait3A_84] : memref<200x128xi32, #tpu.memory_space<vmem>> -> memref<1x128xi32, #tpu.memory_space<vmem>>
    %dma_wait3A_86 = tpu.memref_squeeze %dma_wait3A_85 : memref<1x128xi32, #tpu.memory_space<vmem>> -> memref<128xi32, #tpu.memory_space<vmem>>
    %dma_wait3A_87 = arith.constant 0 : i32
    %dma_wait3A_88 = arith.constant 0 : i32
    %dma_wait3A_89 = tpu.memref_slice %arg3[%dma_wait3A_87, %dma_wait3A_88] : memref<2000000x64xf32, #tpu.memory_space<hbm>> -> memref<2000000x64xf32, #tpu.memory_space<hbm>>
    tpu.wait_indirect_dma semaphore(%arg16 : memref<!tpu.dma_semaphore, #tpu.memory_space<semaphore_mem>>) src(%dma_wait3A_89 : memref<2000000x64xf32, #tpu.memory_space<hbm>>) dst(%arg8 : memref<128x64xf32, #tpu.memory_space<vmem>>)
    %add3A_90 = arith.constant 256 : i32
    %add3A_91 = arith.addi %mul3A_2, %add3A_90 : i32
    %dma_start3A_92 = arith.constant 0 : i32
    %dma_start3A_93 = tpu.memref_slice %arg4[%add3A_91, %dma_start3A_92] : memref<819200x128xf32, #tpu.memory_space<hbm>> -> memref<128x64xf32, #tpu.memory_space<hbm>>
    %dma_start3A_94 = arith.constant 0 : i32
    %dma_start3A_95 = tpu.memref_slice %arg4[%add3A_91, %dma_start3A_94] : memref<819200x128xf32, #tpu.memory_space<hbm>> -> memref<128x64xf32, #tpu.memory_space<hbm>>
    tpu.enqueue_dma source(%arg8 : memref<128x64xf32, #tpu.memory_space<vmem>>) target(%dma_start3A_95 : memref<128x64xf32, #tpu.memory_space<hbm>>) target_semaphore(%arg24 : memref<!tpu.dma_semaphore, #tpu.memory_space<semaphore_mem>>)
    %dma_wait3A_96 = arith.constant 0 : i32
    %dma_wait3A_97 = arith.constant 0 : i32
    %dma_wait3A_98 = tpu.memref_slice %arg5[%dma_wait3A_96, %dma_wait3A_97] : memref<200x128xi32, #tpu.memory_space<vmem>> -> memref<1x128xi32, #tpu.memory_space<vmem>>
    %dma_wait3A_99 = tpu.memref_squeeze %dma_wait3A_98 : memref<1x128xi32, #tpu.memory_space<vmem>> -> memref<128xi32, #tpu.memory_space<vmem>>
    %dma_wait3A_100 = arith.constant 0 : i32
    %dma_wait3A_101 = arith.constant 0 : i32
    %dma_wait3A_102 = tpu.memref_slice %arg3[%dma_wait3A_100, %dma_wait3A_101] : memref<2000000x64xf32, #tpu.memory_space<hbm>> -> memref<2000000x64xf32, #tpu.memory_space<hbm>>
    tpu.wait_indirect_dma semaphore(%arg17 : memref<!tpu.dma_semaphore, #tpu.memory_space<semaphore_mem>>) src(%dma_wait3A_102 : memref<2000000x64xf32, #tpu.memory_space<hbm>>) dst(%arg9 : memref<128x64xf32, #tpu.memory_space<vmem>>)
    %add3A_103 = arith.constant 384 : i32
    %add3A_104 = arith.addi %mul3A_2, %add3A_103 : i32
    %dma_start3A_105 = arith.constant 0 : i32
    %dma_start3A_106 = tpu.memref_slice %arg4[%add3A_104, %dma_start3A_105] : memref<819200x128xf32, #tpu.memory_space<hbm>> -> memref<128x64xf32, #tpu.memory_space<hbm>>
    %dma_start3A_107 = arith.constant 0 : i32
    %dma_start3A_108 = tpu.memref_slice %arg4[%add3A_104, %dma_start3A_107] : memref<819200x128xf32, #tpu.memory_space<hbm>> -> memref<128x64xf32, #tpu.memory_space<hbm>>
    tpu.enqueue_dma source(%arg9 : memref<128x64xf32, #tpu.memory_space<vmem>>) target(%dma_start3A_108 : memref<128x64xf32, #tpu.memory_space<hbm>>) target_semaphore(%arg25 : memref<!tpu.dma_semaphore, #tpu.memory_space<semaphore_mem>>)
    %dma_wait3A_109 = arith.constant 0 : i32
    %dma_wait3A_110 = arith.constant 0 : i32
    %dma_wait3A_111 = tpu.memref_slice %arg5[%dma_wait3A_109, %dma_wait3A_110] : memref<200x128xi32, #tpu.memory_space<vmem>> -> memref<1x128xi32, #tpu.memory_space<vmem>>
    %dma_wait3A_112 = tpu.memref_squeeze %dma_wait3A_111 : memref<1x128xi32, #tpu.memory_space<vmem>> -> memref<128xi32, #tpu.memory_space<vmem>>
    %dma_wait3A_113 = arith.constant 0 : i32
    %dma_wait3A_114 = arith.constant 0 : i32
    %dma_wait3A_115 = tpu.memref_slice %arg3[%dma_wait3A_113, %dma_wait3A_114] : memref<2000000x64xf32, #tpu.memory_space<hbm>> -> memref<2000000x64xf32, #tpu.memory_space<hbm>>
    tpu.wait_indirect_dma semaphore(%arg18 : memref<!tpu.dma_semaphore, #tpu.memory_space<semaphore_mem>>) src(%dma_wait3A_115 : memref<2000000x64xf32, #tpu.memory_space<hbm>>) dst(%arg10 : memref<128x64xf32, #tpu.memory_space<vmem>>)
    %add3A_116 = arith.constant 512 : i32
    %add3A_117 = arith.addi %mul3A_2, %add3A_116 : i32
    %dma_start3A_118 = arith.constant 0 : i32
    %dma_start3A_119 = tpu.memref_slice %arg4[%add3A_117, %dma_start3A_118] : memref<819200x128xf32, #tpu.memory_space<hbm>> -> memref<128x64xf32, #tpu.memory_space<hbm>>
    %dma_start3A_120 = arith.constant 0 : i32
    %dma_start3A_121 = tpu.memref_slice %arg4[%add3A_117, %dma_start3A_120] : memref<819200x128xf32, #tpu.memory_space<hbm>> -> memref<128x64xf32, #tpu.memory_space<hbm>>
    tpu.enqueue_dma source(%arg10 : memref<128x64xf32, #tpu.memory_space<vmem>>) target(%dma_start3A_121 : memref<128x64xf32, #tpu.memory_space<hbm>>) target_semaphore(%arg26 : memref<!tpu.dma_semaphore, #tpu.memory_space<semaphore_mem>>)
    %dma_wait3A_122 = arith.constant 0 : i32
    %dma_wait3A_123 = arith.constant 0 : i32
    %dma_wait3A_124 = tpu.memref_slice %arg5[%dma_wait3A_122, %dma_wait3A_123] : memref<200x128xi32, #tpu.memory_space<vmem>> -> memref<1x128xi32, #tpu.memory_space<vmem>>
    %dma_wait3A_125 = tpu.memref_squeeze %dma_wait3A_124 : memref<1x128xi32, #tpu.memory_space<vmem>> -> memref<128xi32, #tpu.memory_space<vmem>>
    %dma_wait3A_126 = arith.constant 0 : i32
    %dma_wait3A_127 = arith.constant 0 : i32
    %dma_wait3A_128 = tpu.memref_slice %arg3[%dma_wait3A_126, %dma_wait3A_127] : memref<2000000x64xf32, #tpu.memory_space<hbm>> -> memref<2000000x64xf32, #tpu.memory_space<hbm>>
    tpu.wait_indirect_dma semaphore(%arg19 : memref<!tpu.dma_semaphore, #tpu.memory_space<semaphore_mem>>) src(%dma_wait3A_128 : memref<2000000x64xf32, #tpu.memory_space<hbm>>) dst(%arg11 : memref<128x64xf32, #tpu.memory_space<vmem>>)
    %add3A_129 = arith.constant 640 : i32
    %add3A_130 = arith.addi %mul3A_2, %add3A_129 : i32
    %dma_start3A_131 = arith.constant 0 : i32
    %dma_start3A_132 = tpu.memref_slice %arg4[%add3A_130, %dma_start3A_131] : memref<819200x128xf32, #tpu.memory_space<hbm>> -> memref<128x64xf32, #tpu.memory_space<hbm>>
    %dma_start3A_133 = arith.constant 0 : i32
    %dma_start3A_134 = tpu.memref_slice %arg4[%add3A_130, %dma_start3A_133] : memref<819200x128xf32, #tpu.memory_space<hbm>> -> memref<128x64xf32, #tpu.memory_space<hbm>>
    tpu.enqueue_dma source(%arg11 : memref<128x64xf32, #tpu.memory_space<vmem>>) target(%dma_start3A_134 : memref<128x64xf32, #tpu.memory_space<hbm>>) target_semaphore(%arg27 : memref<!tpu.dma_semaphore, #tpu.memory_space<semaphore_mem>>)
    %dma_wait3A_135 = arith.constant 0 : i32
    %dma_wait3A_136 = arith.constant 0 : i32
    %dma_wait3A_137 = tpu.memref_slice %arg5[%dma_wait3A_135, %dma_wait3A_136] : memref<200x128xi32, #tpu.memory_space<vmem>> -> memref<1x128xi32, #tpu.memory_space<vmem>>
    %dma_wait3A_138 = tpu.memref_squeeze %dma_wait3A_137 : memref<1x128xi32, #tpu.memory_space<vmem>> -> memref<128xi32, #tpu.memory_space<vmem>>
    %dma_wait3A_139 = arith.constant 0 : i32
    %dma_wait3A_140 = arith.constant 0 : i32
    %dma_wait3A_141 = tpu.memref_slice %arg3[%dma_wait3A_139, %dma_wait3A_140] : memref<2000000x64xf32, #tpu.memory_space<hbm>> -> memref<2000000x64xf32, #tpu.memory_space<hbm>>
    tpu.wait_indirect_dma semaphore(%arg20 : memref<!tpu.dma_semaphore, #tpu.memory_space<semaphore_mem>>) src(%dma_wait3A_141 : memref<2000000x64xf32, #tpu.memory_space<hbm>>) dst(%arg12 : memref<128x64xf32, #tpu.memory_space<vmem>>)
    %add3A_142 = arith.constant 768 : i32
    %add3A_143 = arith.addi %mul3A_2, %add3A_142 : i32
    %dma_start3A_144 = arith.constant 0 : i32
    %dma_start3A_145 = tpu.memref_slice %arg4[%add3A_143, %dma_start3A_144] : memref<819200x128xf32, #tpu.memory_space<hbm>> -> memref<128x64xf32, #tpu.memory_space<hbm>>
    %dma_start3A_146 = arith.constant 0 : i32
    %dma_start3A_147 = tpu.memref_slice %arg4[%add3A_143, %dma_start3A_146] : memref<819200x128xf32, #tpu.memory_space<hbm>> -> memref<128x64xf32, #tpu.memory_space<hbm>>
    tpu.enqueue_dma source(%arg12 : memref<128x64xf32, #tpu.memory_space<vmem>>) target(%dma_start3A_147 : memref<128x64xf32, #tpu.memory_space<hbm>>) target_semaphore(%arg28 : memref<!tpu.dma_semaphore, #tpu.memory_space<semaphore_mem>>)
    %dma_wait3A_148 = arith.constant 0 : i32
    %dma_wait3A_149 = arith.constant 0 : i32
    %dma_wait3A_150 = tpu.memref_slice %arg5[%dma_wait3A_148, %dma_wait3A_149] : memref<200x128xi32, #tpu.memory_space<vmem>> -> memref<1x128xi32, #tpu.memory_space<vmem>>
    %dma_wait3A_151 = tpu.memref_squeeze %dma_wait3A_150 : memref<1x128xi32, #tpu.memory_space<vmem>> -> memref<128xi32, #tpu.memory_space<vmem>>
    %dma_wait3A_152 = arith.constant 0 : i32
    %dma_wait3A_153 = arith.constant 0 : i32
    %dma_wait3A_154 = tpu.memref_slice %arg3[%dma_wait3A_152, %dma_wait3A_153] : memref<2000000x64xf32, #tpu.memory_space<hbm>> -> memref<2000000x64xf32, #tpu.memory_space<hbm>>
    tpu.wait_indirect_dma semaphore(%arg21 : memref<!tpu.dma_semaphore, #tpu.memory_space<semaphore_mem>>) src(%dma_wait3A_154 : memref<2000000x64xf32, #tpu.memory_space<hbm>>) dst(%arg13 : memref<128x64xf32, #tpu.memory_space<vmem>>)
    %add3A_155 = arith.constant 896 : i32
    %add3A_156 = arith.addi %mul3A_2, %add3A_155 : i32
    %dma_start3A_157 = arith.constant 0 : i32
    %dma_start3A_158 = tpu.memref_slice %arg4[%add3A_156, %dma_start3A_157] : memref<819200x128xf32, #tpu.memory_space<hbm>> -> memref<128x64xf32, #tpu.memory_space<hbm>>
    %dma_start3A_159 = arith.constant 0 : i32
    %dma_start3A_160 = tpu.memref_slice %arg4[%add3A_156, %dma_start3A_159] : memref<819200x128xf32, #tpu.memory_space<hbm>> -> memref<128x64xf32, #tpu.memory_space<hbm>>
    tpu.enqueue_dma source(%arg13 : memref<128x64xf32, #tpu.memory_space<vmem>>) target(%dma_start3A_160 : memref<128x64xf32, #tpu.memory_space<hbm>>) target_semaphore(%arg29 : memref<!tpu.dma_semaphore, #tpu.memory_space<semaphore_mem>>)
    %scan3A = arith.constant 0 : i32
    %scan3A_161 = arith.constant 0 : i32
    %scan3A_162 = arith.constant 24 : i32
    %scan3A_163 = arith.addi %scan3A_161, %scan3A_162 : i32
    %scan3A_164 = arith.constant 1 : i32
    %scan3A_165 = scf.for %scan3A_199 = %scan3A_161 to %scan3A_163 step %scan3A_164 iter_args(%scan3A_200 = %scan3A) -> (i32)  : i32 {
      %mul3A_201 = arith.constant 8 : i32
      %mul3A_202 = arith.muli %mul3A_201, %scan3A_199 : i32
      %add3A_203 = arith.constant 8 : i32
      %add3A_204 = arith.addi %add3A_203, %mul3A_202 : i32
      %add3A_205 = arith.constant 0 : i32
      %add3A_206 = arith.addi %add3A_204, %add3A_205 : i32
      %dma_wait3A_207 = arith.constant 0 : i32
      %dma_wait3A_208 = tpu.memref_slice %arg4[%mul3A_2, %dma_wait3A_207] : memref<819200x128xf32, #tpu.memory_space<hbm>> -> memref<128x64xf32, #tpu.memory_space<hbm>>
      %dma_wait3A_209 = arith.constant 0 : i32
      %dma_wait3A_210 = tpu.memref_slice %arg4[%mul3A_2, %dma_wait3A_209] : memref<819200x128xf32, #tpu.memory_space<hbm>> -> memref<128x64xf32, #tpu.memory_space<hbm>>
      tpu.wait_dma2 semaphore(%arg22 : memref<!tpu.dma_semaphore, #tpu.memory_space<semaphore_mem>>) src(%arg6 : memref<128x64xf32, #tpu.memory_space<vmem>>) dst(%dma_wait3A_210 : memref<128x64xf32, #tpu.memory_space<hbm>>)
      %dma_start3A_211 = arith.constant 0 : i32
      %dma_start3A_212 = tpu.memref_slice %arg5[%add3A_206, %dma_start3A_211] : memref<200x128xi32, #tpu.memory_space<vmem>> -> memref<1x128xi32, #tpu.memory_space<vmem>>
      %dma_start3A_213 = tpu.memref_squeeze %dma_start3A_212 : memref<1x128xi32, #tpu.memory_space<vmem>> -> memref<128xi32, #tpu.memory_space<vmem>>
      %dma_start3A_214 = arith.constant 0 : i32
      %dma_start3A_215 = arith.constant 0 : i32
      %dma_start3A_216 = tpu.memref_slice %arg3[%dma_start3A_214, %dma_start3A_215] : memref<2000000x64xf32, #tpu.memory_space<hbm>> -> memref<2000000x64xf32, #tpu.memory_space<hbm>>
      tpu.enqueue_indirect_dma source(%dma_start3A_216 : memref<2000000x64xf32, #tpu.memory_space<hbm>>) target(%arg6 : memref<128x64xf32, #tpu.memory_space<vmem>>) offsets(%dma_start3A_213 : memref<128xi32, #tpu.memory_space<vmem>>) semaphore(%arg14 : memref<!tpu.dma_semaphore, #tpu.memory_space<semaphore_mem>>)
      %add3A_217 = arith.constant 1 : i32
      %add3A_218 = arith.addi %add3A_204, %add3A_217 : i32
      %dma_wait3A_219 = arith.constant 0 : i32
      %dma_wait3A_220 = tpu.memref_slice %arg4[%mul3A_2, %dma_wait3A_219] : memref<819200x128xf32, #tpu.memory_space<hbm>> -> memref<128x64xf32, #tpu.memory_space<hbm>>
      %dma_wait3A_221 = arith.constant 0 : i32
      %dma_wait3A_222 = tpu.memref_slice %arg4[%mul3A_2, %dma_wait3A_221] : memref<819200x128xf32, #tpu.memory_space<hbm>> -> memref<128x64xf32, #tpu.memory_space<hbm>>
      tpu.wait_dma2 semaphore(%arg23 : memref<!tpu.dma_semaphore, #tpu.memory_space<semaphore_mem>>) src(%arg7 : memref<128x64xf32, #tpu.memory_space<vmem>>) dst(%dma_wait3A_222 : memref<128x64xf32, #tpu.memory_space<hbm>>)
      %dma_start3A_223 = arith.constant 0 : i32
      %dma_start3A_224 = tpu.memref_slice %arg5[%add3A_218, %dma_start3A_223] : memref<200x128xi32, #tpu.memory_space<vmem>> -> memref<1x128xi32, #tpu.memory_space<vmem>>
      %dma_start3A_225 = tpu.memref_squeeze %dma_start3A_224 : memref<1x128xi32, #tpu.memory_space<vmem>> -> memref<128xi32, #tpu.memory_space<vmem>>
      %dma_start3A_226 = arith.constant 0 : i32
      %dma_start3A_227 = arith.constant 0 : i32
      %dma_start3A_228 = tpu.memref_slice %arg3[%dma_start3A_226, %dma_start3A_227] : memref<2000000x64xf32, #tpu.memory_space<hbm>> -> memref<2000000x64xf32, #tpu.memory_space<hbm>>
      tpu.enqueue_indirect_dma source(%dma_start3A_228 : memref<2000000x64xf32, #tpu.memory_space<hbm>>) target(%arg7 : memref<128x64xf32, #tpu.memory_space<vmem>>) offsets(%dma_start3A_225 : memref<128xi32, #tpu.memory_space<vmem>>) semaphore(%arg15 : memref<!tpu.dma_semaphore, #tpu.memory_space<semaphore_mem>>)
      %add3A_229 = arith.constant 2 : i32
      %add3A_230 = arith.addi %add3A_204, %add3A_229 : i32
      %dma_wait3A_231 = arith.constant 0 : i32
      %dma_wait3A_232 = tpu.memref_slice %arg4[%mul3A_2, %dma_wait3A_231] : memref<819200x128xf32, #tpu.memory_space<hbm>> -> memref<128x64xf32, #tpu.memory_space<hbm>>
      %dma_wait3A_233 = arith.constant 0 : i32
      %dma_wait3A_234 = tpu.memref_slice %arg4[%mul3A_2, %dma_wait3A_233] : memref<819200x128xf32, #tpu.memory_space<hbm>> -> memref<128x64xf32, #tpu.memory_space<hbm>>
      tpu.wait_dma2 semaphore(%arg24 : memref<!tpu.dma_semaphore, #tpu.memory_space<semaphore_mem>>) src(%arg8 : memref<128x64xf32, #tpu.memory_space<vmem>>) dst(%dma_wait3A_234 : memref<128x64xf32, #tpu.memory_space<hbm>>)
      %dma_start3A_235 = arith.constant 0 : i32
      %dma_start3A_236 = tpu.memref_slice %arg5[%add3A_230, %dma_start3A_235] : memref<200x128xi32, #tpu.memory_space<vmem>> -> memref<1x128xi32, #tpu.memory_space<vmem>>
      %dma_start3A_237 = tpu.memref_squeeze %dma_start3A_236 : memref<1x128xi32, #tpu.memory_space<vmem>> -> memref<128xi32, #tpu.memory_space<vmem>>
      %dma_start3A_238 = arith.constant 0 : i32
      %dma_start3A_239 = arith.constant 0 : i32
      %dma_start3A_240 = tpu.memref_slice %arg3[%dma_start3A_238, %dma_start3A_239] : memref<2000000x64xf32, #tpu.memory_space<hbm>> -> memref<2000000x64xf32, #tpu.memory_space<hbm>>
      tpu.enqueue_indirect_dma source(%dma_start3A_240 : memref<2000000x64xf32, #tpu.memory_space<hbm>>) target(%arg8 : memref<128x64xf32, #tpu.memory_space<vmem>>) offsets(%dma_start3A_237 : memref<128xi32, #tpu.memory_space<vmem>>) semaphore(%arg16 : memref<!tpu.dma_semaphore, #tpu.memory_space<semaphore_mem>>)
      %add3A_241 = arith.constant 3 : i32
      %add3A_242 = arith.addi %add3A_204, %add3A_241 : i32
      %dma_wait3A_243 = arith.constant 0 : i32
      %dma_wait3A_244 = tpu.memref_slice %arg4[%mul3A_2, %dma_wait3A_243] : memref<819200x128xf32, #tpu.memory_space<hbm>> -> memref<128x64xf32, #tpu.memory_space<hbm>>
      %dma_wait3A_245 = arith.constant 0 : i32
      %dma_wait3A_246 = tpu.memref_slice %arg4[%mul3A_2, %dma_wait3A_245] : memref<819200x128xf32, #tpu.memory_space<hbm>> -> memref<128x64xf32, #tpu.memory_space<hbm>>
      tpu.wait_dma2 semaphore(%arg25 : memref<!tpu.dma_semaphore, #tpu.memory_space<semaphore_mem>>) src(%arg9 : memref<128x64xf32, #tpu.memory_space<vmem>>) dst(%dma_wait3A_246 : memref<128x64xf32, #tpu.memory_space<hbm>>)
      %dma_start3A_247 = arith.constant 0 : i32
      %dma_start3A_248 = tpu.memref_slice %arg5[%add3A_242, %dma_start3A_247] : memref<200x128xi32, #tpu.memory_space<vmem>> -> memref<1x128xi32, #tpu.memory_space<vmem>>
      %dma_start3A_249 = tpu.memref_squeeze %dma_start3A_248 : memref<1x128xi32, #tpu.memory_space<vmem>> -> memref<128xi32, #tpu.memory_space<vmem>>
      %dma_start3A_250 = arith.constant 0 : i32
      %dma_start3A_251 = arith.constant 0 : i32
      %dma_start3A_252 = tpu.memref_slice %arg3[%dma_start3A_250, %dma_start3A_251] : memref<2000000x64xf32, #tpu.memory_space<hbm>> -> memref<2000000x64xf32, #tpu.memory_space<hbm>>
      tpu.enqueue_indirect_dma source(%dma_start3A_252 : memref<2000000x64xf32, #tpu.memory_space<hbm>>) target(%arg9 : memref<128x64xf32, #tpu.memory_space<vmem>>) offsets(%dma_start3A_249 : memref<128xi32, #tpu.memory_space<vmem>>) semaphore(%arg17 : memref<!tpu.dma_semaphore, #tpu.memory_space<semaphore_mem>>)
      %add3A_253 = arith.constant 4 : i32
      %add3A_254 = arith.addi %add3A_204, %add3A_253 : i32
      %dma_wait3A_255 = arith.constant 0 : i32
      %dma_wait3A_256 = tpu.memref_slice %arg4[%mul3A_2, %dma_wait3A_255] : memref<819200x128xf32, #tpu.memory_space<hbm>> -> memref<128x64xf32, #tpu.memory_space<hbm>>
      %dma_wait3A_257 = arith.constant 0 : i32
      %dma_wait3A_258 = tpu.memref_slice %arg4[%mul3A_2, %dma_wait3A_257] : memref<819200x128xf32, #tpu.memory_space<hbm>> -> memref<128x64xf32, #tpu.memory_space<hbm>>
      tpu.wait_dma2 semaphore(%arg26 : memref<!tpu.dma_semaphore, #tpu.memory_space<semaphore_mem>>) src(%arg10 : memref<128x64xf32, #tpu.memory_space<vmem>>) dst(%dma_wait3A_258 : memref<128x64xf32, #tpu.memory_space<hbm>>)
      %dma_start3A_259 = arith.constant 0 : i32
      %dma_start3A_260 = tpu.memref_slice %arg5[%add3A_254, %dma_start3A_259] : memref<200x128xi32, #tpu.memory_space<vmem>> -> memref<1x128xi32, #tpu.memory_space<vmem>>
      %dma_start3A_261 = tpu.memref_squeeze %dma_start3A_260 : memref<1x128xi32, #tpu.memory_space<vmem>> -> memref<128xi32, #tpu.memory_space<vmem>>
      %dma_start3A_262 = arith.constant 0 : i32
      %dma_start3A_263 = arith.constant 0 : i32
      %dma_start3A_264 = tpu.memref_slice %arg3[%dma_start3A_262, %dma_start3A_263] : memref<2000000x64xf32, #tpu.memory_space<hbm>> -> memref<2000000x64xf32, #tpu.memory_space<hbm>>
      tpu.enqueue_indirect_dma source(%dma_start3A_264 : memref<2000000x64xf32, #tpu.memory_space<hbm>>) target(%arg10 : memref<128x64xf32, #tpu.memory_space<vmem>>) offsets(%dma_start3A_261 : memref<128xi32, #tpu.memory_space<vmem>>) semaphore(%arg18 : memref<!tpu.dma_semaphore, #tpu.memory_space<semaphore_mem>>)
      %add3A_265 = arith.constant 5 : i32
      %add3A_266 = arith.addi %add3A_204, %add3A_265 : i32
      %dma_wait3A_267 = arith.constant 0 : i32
      %dma_wait3A_268 = tpu.memref_slice %arg4[%mul3A_2, %dma_wait3A_267] : memref<819200x128xf32, #tpu.memory_space<hbm>> -> memref<128x64xf32, #tpu.memory_space<hbm>>
      %dma_wait3A_269 = arith.constant 0 : i32
      %dma_wait3A_270 = tpu.memref_slice %arg4[%mul3A_2, %dma_wait3A_269] : memref<819200x128xf32, #tpu.memory_space<hbm>> -> memref<128x64xf32, #tpu.memory_space<hbm>>
      tpu.wait_dma2 semaphore(%arg27 : memref<!tpu.dma_semaphore, #tpu.memory_space<semaphore_mem>>) src(%arg11 : memref<128x64xf32, #tpu.memory_space<vmem>>) dst(%dma_wait3A_270 : memref<128x64xf32, #tpu.memory_space<hbm>>)
      %dma_start3A_271 = arith.constant 0 : i32
      %dma_start3A_272 = tpu.memref_slice %arg5[%add3A_266, %dma_start3A_271] : memref<200x128xi32, #tpu.memory_space<vmem>> -> memref<1x128xi32, #tpu.memory_space<vmem>>
      %dma_start3A_273 = tpu.memref_squeeze %dma_start3A_272 : memref<1x128xi32, #tpu.memory_space<vmem>> -> memref<128xi32, #tpu.memory_space<vmem>>
      %dma_start3A_274 = arith.constant 0 : i32
      %dma_start3A_275 = arith.constant 0 : i32
      %dma_start3A_276 = tpu.memref_slice %arg3[%dma_start3A_274, %dma_start3A_275] : memref<2000000x64xf32, #tpu.memory_space<hbm>> -> memref<2000000x64xf32, #tpu.memory_space<hbm>>
      tpu.enqueue_indirect_dma source(%dma_start3A_276 : memref<2000000x64xf32, #tpu.memory_space<hbm>>) target(%arg11 : memref<128x64xf32, #tpu.memory_space<vmem>>) offsets(%dma_start3A_273 : memref<128xi32, #tpu.memory_space<vmem>>) semaphore(%arg19 : memref<!tpu.dma_semaphore, #tpu.memory_space<semaphore_mem>>)
      %add3A_277 = arith.constant 6 : i32
      %add3A_278 = arith.addi %add3A_204, %add3A_277 : i32
      %dma_wait3A_279 = arith.constant 0 : i32
      %dma_wait3A_280 = tpu.memref_slice %arg4[%mul3A_2, %dma_wait3A_279] : memref<819200x128xf32, #tpu.memory_space<hbm>> -> memref<128x64xf32, #tpu.memory_space<hbm>>
      %dma_wait3A_281 = arith.constant 0 : i32
      %dma_wait3A_282 = tpu.memref_slice %arg4[%mul3A_2, %dma_wait3A_281] : memref<819200x128xf32, #tpu.memory_space<hbm>> -> memref<128x64xf32, #tpu.memory_space<hbm>>
      tpu.wait_dma2 semaphore(%arg28 : memref<!tpu.dma_semaphore, #tpu.memory_space<semaphore_mem>>) src(%arg12 : memref<128x64xf32, #tpu.memory_space<vmem>>) dst(%dma_wait3A_282 : memref<128x64xf32, #tpu.memory_space<hbm>>)
      %dma_start3A_283 = arith.constant 0 : i32
      %dma_start3A_284 = tpu.memref_slice %arg5[%add3A_278, %dma_start3A_283] : memref<200x128xi32, #tpu.memory_space<vmem>> -> memref<1x128xi32, #tpu.memory_space<vmem>>
      %dma_start3A_285 = tpu.memref_squeeze %dma_start3A_284 : memref<1x128xi32, #tpu.memory_space<vmem>> -> memref<128xi32, #tpu.memory_space<vmem>>
      %dma_start3A_286 = arith.constant 0 : i32
      %dma_start3A_287 = arith.constant 0 : i32
      %dma_start3A_288 = tpu.memref_slice %arg3[%dma_start3A_286, %dma_start3A_287] : memref<2000000x64xf32, #tpu.memory_space<hbm>> -> memref<2000000x64xf32, #tpu.memory_space<hbm>>
      tpu.enqueue_indirect_dma source(%dma_start3A_288 : memref<2000000x64xf32, #tpu.memory_space<hbm>>) target(%arg12 : memref<128x64xf32, #tpu.memory_space<vmem>>) offsets(%dma_start3A_285 : memref<128xi32, #tpu.memory_space<vmem>>) semaphore(%arg20 : memref<!tpu.dma_semaphore, #tpu.memory_space<semaphore_mem>>)
      %add3A_289 = arith.constant 7 : i32
      %add3A_290 = arith.addi %add3A_204, %add3A_289 : i32
      %dma_wait3A_291 = arith.constant 0 : i32
      %dma_wait3A_292 = tpu.memref_slice %arg4[%mul3A_2, %dma_wait3A_291] : memref<819200x128xf32, #tpu.memory_space<hbm>> -> memref<128x64xf32, #tpu.memory_space<hbm>>
      %dma_wait3A_293 = arith.constant 0 : i32
      %dma_wait3A_294 = tpu.memref_slice %arg4[%mul3A_2, %dma_wait3A_293] : memref<819200x128xf32, #tpu.memory_space<hbm>> -> memref<128x64xf32, #tpu.memory_space<hbm>>
      tpu.wait_dma2 semaphore(%arg29 : memref<!tpu.dma_semaphore, #tpu.memory_space<semaphore_mem>>) src(%arg13 : memref<128x64xf32, #tpu.memory_space<vmem>>) dst(%dma_wait3A_294 : memref<128x64xf32, #tpu.memory_space<hbm>>)
      %dma_start3A_295 = arith.constant 0 : i32
      %dma_start3A_296 = tpu.memref_slice %arg5[%add3A_290, %dma_start3A_295] : memref<200x128xi32, #tpu.memory_space<vmem>> -> memref<1x128xi32, #tpu.memory_space<vmem>>
      %dma_start3A_297 = tpu.memref_squeeze %dma_start3A_296 : memref<1x128xi32, #tpu.memory_space<vmem>> -> memref<128xi32, #tpu.memory_space<vmem>>
      %dma_start3A_298 = arith.constant 0 : i32
      %dma_start3A_299 = arith.constant 0 : i32
      %dma_start3A_300 = tpu.memref_slice %arg3[%dma_start3A_298, %dma_start3A_299] : memref<2000000x64xf32, #tpu.memory_space<hbm>> -> memref<2000000x64xf32, #tpu.memory_space<hbm>>
      tpu.enqueue_indirect_dma source(%dma_start3A_300 : memref<2000000x64xf32, #tpu.memory_space<hbm>>) target(%arg13 : memref<128x64xf32, #tpu.memory_space<vmem>>) offsets(%dma_start3A_297 : memref<128xi32, #tpu.memory_space<vmem>>) semaphore(%arg21 : memref<!tpu.dma_semaphore, #tpu.memory_space<semaphore_mem>>)
      %add3A_301 = arith.constant 0 : i32
      %add3A_302 = arith.addi %add3A_204, %add3A_301 : i32
      %dma_wait3A_303 = arith.constant 0 : i32
      %dma_wait3A_304 = arith.constant 0 : i32
      %dma_wait3A_305 = tpu.memref_slice %arg5[%dma_wait3A_303, %dma_wait3A_304] : memref<200x128xi32, #tpu.memory_space<vmem>> -> memref<1x128xi32, #tpu.memory_space<vmem>>
      %dma_wait3A_306 = tpu.memref_squeeze %dma_wait3A_305 : memref<1x128xi32, #tpu.memory_space<vmem>> -> memref<128xi32, #tpu.memory_space<vmem>>
      %dma_wait3A_307 = arith.constant 0 : i32
      %dma_wait3A_308 = arith.constant 0 : i32
      %dma_wait3A_309 = tpu.memref_slice %arg3[%dma_wait3A_307, %dma_wait3A_308] : memref<2000000x64xf32, #tpu.memory_space<hbm>> -> memref<2000000x64xf32, #tpu.memory_space<hbm>>
      tpu.wait_indirect_dma semaphore(%arg14 : memref<!tpu.dma_semaphore, #tpu.memory_space<semaphore_mem>>) src(%dma_wait3A_309 : memref<2000000x64xf32, #tpu.memory_space<hbm>>) dst(%arg6 : memref<128x64xf32, #tpu.memory_space<vmem>>)
      %mul3A_310 = arith.constant 128 : i32
      %mul3A_311 = arith.muli %add3A_302, %mul3A_310 : i32
      %add3A_312 = arith.addi %mul3A_2, %mul3A_311 : i32
      %dma_start3A_313 = arith.constant 0 : i32
      %dma_start3A_314 = tpu.memref_slice %arg4[%add3A_312, %dma_start3A_313] : memref<819200x128xf32, #tpu.memory_space<hbm>> -> memref<128x64xf32, #tpu.memory_space<hbm>>
      %dma_start3A_315 = arith.constant 0 : i32
      %dma_start3A_316 = tpu.memref_slice %arg4[%add3A_312, %dma_start3A_315] : memref<819200x128xf32, #tpu.memory_space<hbm>> -> memref<128x64xf32, #tpu.memory_space<hbm>>
      tpu.enqueue_dma source(%arg6 : memref<128x64xf32, #tpu.memory_space<vmem>>) target(%dma_start3A_316 : memref<128x64xf32, #tpu.memory_space<hbm>>) target_semaphore(%arg22 : memref<!tpu.dma_semaphore, #tpu.memory_space<semaphore_mem>>)
      %add3A_317 = arith.constant 1 : i32
      %add3A_318 = arith.addi %add3A_204, %add3A_317 : i32
      %dma_wait3A_319 = arith.constant 0 : i32
      %dma_wait3A_320 = arith.constant 0 : i32
      %dma_wait3A_321 = tpu.memref_slice %arg5[%dma_wait3A_319, %dma_wait3A_320] : memref<200x128xi32, #tpu.memory_space<vmem>> -> memref<1x128xi32, #tpu.memory_space<vmem>>
      %dma_wait3A_322 = tpu.memref_squeeze %dma_wait3A_321 : memref<1x128xi32, #tpu.memory_space<vmem>> -> memref<128xi32, #tpu.memory_space<vmem>>
      %dma_wait3A_323 = arith.constant 0 : i32
      %dma_wait3A_324 = arith.constant 0 : i32
      %dma_wait3A_325 = tpu.memref_slice %arg3[%dma_wait3A_323, %dma_wait3A_324] : memref<2000000x64xf32, #tpu.memory_space<hbm>> -> memref<2000000x64xf32, #tpu.memory_space<hbm>>
      tpu.wait_indirect_dma semaphore(%arg15 : memref<!tpu.dma_semaphore, #tpu.memory_space<semaphore_mem>>) src(%dma_wait3A_325 : memref<2000000x64xf32, #tpu.memory_space<hbm>>) dst(%arg7 : memref<128x64xf32, #tpu.memory_space<vmem>>)
      %mul3A_326 = arith.constant 128 : i32
      %mul3A_327 = arith.muli %add3A_318, %mul3A_326 : i32
      %add3A_328 = arith.addi %mul3A_2, %mul3A_327 : i32
      %dma_start3A_329 = arith.constant 0 : i32
      %dma_start3A_330 = tpu.memref_slice %arg4[%add3A_328, %dma_start3A_329] : memref<819200x128xf32, #tpu.memory_space<hbm>> -> memref<128x64xf32, #tpu.memory_space<hbm>>
      %dma_start3A_331 = arith.constant 0 : i32
      %dma_start3A_332 = tpu.memref_slice %arg4[%add3A_328, %dma_start3A_331] : memref<819200x128xf32, #tpu.memory_space<hbm>> -> memref<128x64xf32, #tpu.memory_space<hbm>>
      tpu.enqueue_dma source(%arg7 : memref<128x64xf32, #tpu.memory_space<vmem>>) target(%dma_start3A_332 : memref<128x64xf32, #tpu.memory_space<hbm>>) target_semaphore(%arg23 : memref<!tpu.dma_semaphore, #tpu.memory_space<semaphore_mem>>)
      %add3A_333 = arith.constant 2 : i32
      %add3A_334 = arith.addi %add3A_204, %add3A_333 : i32
      %dma_wait3A_335 = arith.constant 0 : i32
      %dma_wait3A_336 = arith.constant 0 : i32
      %dma_wait3A_337 = tpu.memref_slice %arg5[%dma_wait3A_335, %dma_wait3A_336] : memref<200x128xi32, #tpu.memory_space<vmem>> -> memref<1x128xi32, #tpu.memory_space<vmem>>
      %dma_wait3A_338 = tpu.memref_squeeze %dma_wait3A_337 : memref<1x128xi32, #tpu.memory_space<vmem>> -> memref<128xi32, #tpu.memory_space<vmem>>
      %dma_wait3A_339 = arith.constant 0 : i32
      %dma_wait3A_340 = arith.constant 0 : i32
      %dma_wait3A_341 = tpu.memref_slice %arg3[%dma_wait3A_339, %dma_wait3A_340] : memref<2000000x64xf32, #tpu.memory_space<hbm>> -> memref<2000000x64xf32, #tpu.memory_space<hbm>>
      tpu.wait_indirect_dma semaphore(%arg16 : memref<!tpu.dma_semaphore, #tpu.memory_space<semaphore_mem>>) src(%dma_wait3A_341 : memref<2000000x64xf32, #tpu.memory_space<hbm>>) dst(%arg8 : memref<128x64xf32, #tpu.memory_space<vmem>>)
      %mul3A_342 = arith.constant 128 : i32
      %mul3A_343 = arith.muli %add3A_334, %mul3A_342 : i32
      %add3A_344 = arith.addi %mul3A_2, %mul3A_343 : i32
      %dma_start3A_345 = arith.constant 0 : i32
      %dma_start3A_346 = tpu.memref_slice %arg4[%add3A_344, %dma_start3A_345] : memref<819200x128xf32, #tpu.memory_space<hbm>> -> memref<128x64xf32, #tpu.memory_space<hbm>>
      %dma_start3A_347 = arith.constant 0 : i32
      %dma_start3A_348 = tpu.memref_slice %arg4[%add3A_344, %dma_start3A_347] : memref<819200x128xf32, #tpu.memory_space<hbm>> -> memref<128x64xf32, #tpu.memory_space<hbm>>
      tpu.enqueue_dma source(%arg8 : memref<128x64xf32, #tpu.memory_space<vmem>>) target(%dma_start3A_348 : memref<128x64xf32, #tpu.memory_space<hbm>>) target_semaphore(%arg24 : memref<!tpu.dma_semaphore, #tpu.memory_space<semaphore_mem>>)
      %add3A_349 = arith.constant 3 : i32
      %add3A_350 = arith.addi %add3A_204, %add3A_349 : i32
      %dma_wait3A_351 = arith.constant 0 : i32
      %dma_wait3A_352 = arith.constant 0 : i32
      %dma_wait3A_353 = tpu.memref_slice %arg5[%dma_wait3A_351, %dma_wait3A_352] : memref<200x128xi32, #tpu.memory_space<vmem>> -> memref<1x128xi32, #tpu.memory_space<vmem>>
      %dma_wait3A_354 = tpu.memref_squeeze %dma_wait3A_353 : memref<1x128xi32, #tpu.memory_space<vmem>> -> memref<128xi32, #tpu.memory_space<vmem>>
      %dma_wait3A_355 = arith.constant 0 : i32
      %dma_wait3A_356 = arith.constant 0 : i32
      %dma_wait3A_357 = tpu.memref_slice %arg3[%dma_wait3A_355, %dma_wait3A_356] : memref<2000000x64xf32, #tpu.memory_space<hbm>> -> memref<2000000x64xf32, #tpu.memory_space<hbm>>
      tpu.wait_indirect_dma semaphore(%arg17 : memref<!tpu.dma_semaphore, #tpu.memory_space<semaphore_mem>>) src(%dma_wait3A_357 : memref<2000000x64xf32, #tpu.memory_space<hbm>>) dst(%arg9 : memref<128x64xf32, #tpu.memory_space<vmem>>)
      %mul3A_358 = arith.constant 128 : i32
      %mul3A_359 = arith.muli %add3A_350, %mul3A_358 : i32
      %add3A_360 = arith.addi %mul3A_2, %mul3A_359 : i32
      %dma_start3A_361 = arith.constant 0 : i32
      %dma_start3A_362 = tpu.memref_slice %arg4[%add3A_360, %dma_start3A_361] : memref<819200x128xf32, #tpu.memory_space<hbm>> -> memref<128x64xf32, #tpu.memory_space<hbm>>
      %dma_start3A_363 = arith.constant 0 : i32
      %dma_start3A_364 = tpu.memref_slice %arg4[%add3A_360, %dma_start3A_363] : memref<819200x128xf32, #tpu.memory_space<hbm>> -> memref<128x64xf32, #tpu.memory_space<hbm>>
      tpu.enqueue_dma source(%arg9 : memref<128x64xf32, #tpu.memory_space<vmem>>) target(%dma_start3A_364 : memref<128x64xf32, #tpu.memory_space<hbm>>) target_semaphore(%arg25 : memref<!tpu.dma_semaphore, #tpu.memory_space<semaphore_mem>>)
      %add3A_365 = arith.constant 4 : i32
      %add3A_366 = arith.addi %add3A_204, %add3A_365 : i32
      %dma_wait3A_367 = arith.constant 0 : i32
      %dma_wait3A_368 = arith.constant 0 : i32
      %dma_wait3A_369 = tpu.memref_slice %arg5[%dma_wait3A_367, %dma_wait3A_368] : memref<200x128xi32, #tpu.memory_space<vmem>> -> memref<1x128xi32, #tpu.memory_space<vmem>>
      %dma_wait3A_370 = tpu.memref_squeeze %dma_wait3A_369 : memref<1x128xi32, #tpu.memory_space<vmem>> -> memref<128xi32, #tpu.memory_space<vmem>>
      %dma_wait3A_371 = arith.constant 0 : i32
      %dma_wait3A_372 = arith.constant 0 : i32
      %dma_wait3A_373 = tpu.memref_slice %arg3[%dma_wait3A_371, %dma_wait3A_372] : memref<2000000x64xf32, #tpu.memory_space<hbm>> -> memref<2000000x64xf32, #tpu.memory_space<hbm>>
      tpu.wait_indirect_dma semaphore(%arg18 : memref<!tpu.dma_semaphore, #tpu.memory_space<semaphore_mem>>) src(%dma_wait3A_373 : memref<2000000x64xf32, #tpu.memory_space<hbm>>) dst(%arg10 : memref<128x64xf32, #tpu.memory_space<vmem>>)
      %mul3A_374 = arith.constant 128 : i32
      %mul3A_375 = arith.muli %add3A_366, %mul3A_374 : i32
      %add3A_376 = arith.addi %mul3A_2, %mul3A_375 : i32
      %dma_start3A_377 = arith.constant 0 : i32
      %dma_start3A_378 = tpu.memref_slice %arg4[%add3A_376, %dma_start3A_377] : memref<819200x128xf32, #tpu.memory_space<hbm>> -> memref<128x64xf32, #tpu.memory_space<hbm>>
      %dma_start3A_379 = arith.constant 0 : i32
      %dma_start3A_380 = tpu.memref_slice %arg4[%add3A_376, %dma_start3A_379] : memref<819200x128xf32, #tpu.memory_space<hbm>> -> memref<128x64xf32, #tpu.memory_space<hbm>>
      tpu.enqueue_dma source(%arg10 : memref<128x64xf32, #tpu.memory_space<vmem>>) target(%dma_start3A_380 : memref<128x64xf32, #tpu.memory_space<hbm>>) target_semaphore(%arg26 : memref<!tpu.dma_semaphore, #tpu.memory_space<semaphore_mem>>)
      %add3A_381 = arith.constant 5 : i32
      %add3A_382 = arith.addi %add3A_204, %add3A_381 : i32
      %dma_wait3A_383 = arith.constant 0 : i32
      %dma_wait3A_384 = arith.constant 0 : i32
      %dma_wait3A_385 = tpu.memref_slice %arg5[%dma_wait3A_383, %dma_wait3A_384] : memref<200x128xi32, #tpu.memory_space<vmem>> -> memref<1x128xi32, #tpu.memory_space<vmem>>
      %dma_wait3A_386 = tpu.memref_squeeze %dma_wait3A_385 : memref<1x128xi32, #tpu.memory_space<vmem>> -> memref<128xi32, #tpu.memory_space<vmem>>
      %dma_wait3A_387 = arith.constant 0 : i32
      %dma_wait3A_388 = arith.constant 0 : i32
      %dma_wait3A_389 = tpu.memref_slice %arg3[%dma_wait3A_387, %dma_wait3A_388] : memref<2000000x64xf32, #tpu.memory_space<hbm>> -> memref<2000000x64xf32, #tpu.memory_space<hbm>>
      tpu.wait_indirect_dma semaphore(%arg19 : memref<!tpu.dma_semaphore, #tpu.memory_space<semaphore_mem>>) src(%dma_wait3A_389 : memref<2000000x64xf32, #tpu.memory_space<hbm>>) dst(%arg11 : memref<128x64xf32, #tpu.memory_space<vmem>>)
      %mul3A_390 = arith.constant 128 : i32
      %mul3A_391 = arith.muli %add3A_382, %mul3A_390 : i32
      %add3A_392 = arith.addi %mul3A_2, %mul3A_391 : i32
      %dma_start3A_393 = arith.constant 0 : i32
      %dma_start3A_394 = tpu.memref_slice %arg4[%add3A_392, %dma_start3A_393] : memref<819200x128xf32, #tpu.memory_space<hbm>> -> memref<128x64xf32, #tpu.memory_space<hbm>>
      %dma_start3A_395 = arith.constant 0 : i32
      %dma_start3A_396 = tpu.memref_slice %arg4[%add3A_392, %dma_start3A_395] : memref<819200x128xf32, #tpu.memory_space<hbm>> -> memref<128x64xf32, #tpu.memory_space<hbm>>
      tpu.enqueue_dma source(%arg11 : memref<128x64xf32, #tpu.memory_space<vmem>>) target(%dma_start3A_396 : memref<128x64xf32, #tpu.memory_space<hbm>>) target_semaphore(%arg27 : memref<!tpu.dma_semaphore, #tpu.memory_space<semaphore_mem>>)
      %add3A_397 = arith.constant 6 : i32
      %add3A_398 = arith.addi %add3A_204, %add3A_397 : i32
      %dma_wait3A_399 = arith.constant 0 : i32
      %dma_wait3A_400 = arith.constant 0 : i32
      %dma_wait3A_401 = tpu.memref_slice %arg5[%dma_wait3A_399, %dma_wait3A_400] : memref<200x128xi32, #tpu.memory_space<vmem>> -> memref<1x128xi32, #tpu.memory_space<vmem>>
      %dma_wait3A_402 = tpu.memref_squeeze %dma_wait3A_401 : memref<1x128xi32, #tpu.memory_space<vmem>> -> memref<128xi32, #tpu.memory_space<vmem>>
      %dma_wait3A_403 = arith.constant 0 : i32
      %dma_wait3A_404 = arith.constant 0 : i32
      %dma_wait3A_405 = tpu.memref_slice %arg3[%dma_wait3A_403, %dma_wait3A_404] : memref<2000000x64xf32, #tpu.memory_space<hbm>> -> memref<2000000x64xf32, #tpu.memory_space<hbm>>
      tpu.wait_indirect_dma semaphore(%arg20 : memref<!tpu.dma_semaphore, #tpu.memory_space<semaphore_mem>>) src(%dma_wait3A_405 : memref<2000000x64xf32, #tpu.memory_space<hbm>>) dst(%arg12 : memref<128x64xf32, #tpu.memory_space<vmem>>)
      %mul3A_406 = arith.constant 128 : i32
      %mul3A_407 = arith.muli %add3A_398, %mul3A_406 : i32
      %add3A_408 = arith.addi %mul3A_2, %mul3A_407 : i32
      %dma_start3A_409 = arith.constant 0 : i32
      %dma_start3A_410 = tpu.memref_slice %arg4[%add3A_408, %dma_start3A_409] : memref<819200x128xf32, #tpu.memory_space<hbm>> -> memref<128x64xf32, #tpu.memory_space<hbm>>
      %dma_start3A_411 = arith.constant 0 : i32
      %dma_start3A_412 = tpu.memref_slice %arg4[%add3A_408, %dma_start3A_411] : memref<819200x128xf32, #tpu.memory_space<hbm>> -> memref<128x64xf32, #tpu.memory_space<hbm>>
      tpu.enqueue_dma source(%arg12 : memref<128x64xf32, #tpu.memory_space<vmem>>) target(%dma_start3A_412 : memref<128x64xf32, #tpu.memory_space<hbm>>) target_semaphore(%arg28 : memref<!tpu.dma_semaphore, #tpu.memory_space<semaphore_mem>>)
      %add3A_413 = arith.constant 7 : i32
      %add3A_414 = arith.addi %add3A_204, %add3A_413 : i32
      %dma_wait3A_415 = arith.constant 0 : i32
      %dma_wait3A_416 = arith.constant 0 : i32
      %dma_wait3A_417 = tpu.memref_slice %arg5[%dma_wait3A_415, %dma_wait3A_416] : memref<200x128xi32, #tpu.memory_space<vmem>> -> memref<1x128xi32, #tpu.memory_space<vmem>>
      %dma_wait3A_418 = tpu.memref_squeeze %dma_wait3A_417 : memref<1x128xi32, #tpu.memory_space<vmem>> -> memref<128xi32, #tpu.memory_space<vmem>>
      %dma_wait3A_419 = arith.constant 0 : i32
      %dma_wait3A_420 = arith.constant 0 : i32
      %dma_wait3A_421 = tpu.memref_slice %arg3[%dma_wait3A_419, %dma_wait3A_420] : memref<2000000x64xf32, #tpu.memory_space<hbm>> -> memref<2000000x64xf32, #tpu.memory_space<hbm>>
      tpu.wait_indirect_dma semaphore(%arg21 : memref<!tpu.dma_semaphore, #tpu.memory_space<semaphore_mem>>) src(%dma_wait3A_421 : memref<2000000x64xf32, #tpu.memory_space<hbm>>) dst(%arg13 : memref<128x64xf32, #tpu.memory_space<vmem>>)
      %mul3A_422 = arith.constant 128 : i32
      %mul3A_423 = arith.muli %add3A_414, %mul3A_422 : i32
      %add3A_424 = arith.addi %mul3A_2, %mul3A_423 : i32
      %dma_start3A_425 = arith.constant 0 : i32
      %dma_start3A_426 = tpu.memref_slice %arg4[%add3A_424, %dma_start3A_425] : memref<819200x128xf32, #tpu.memory_space<hbm>> -> memref<128x64xf32, #tpu.memory_space<hbm>>
      %dma_start3A_427 = arith.constant 0 : i32
      %dma_start3A_428 = tpu.memref_slice %arg4[%add3A_424, %dma_start3A_427] : memref<819200x128xf32, #tpu.memory_space<hbm>> -> memref<128x64xf32, #tpu.memory_space<hbm>>
      tpu.enqueue_dma source(%arg13 : memref<128x64xf32, #tpu.memory_space<vmem>>) target(%dma_start3A_428 : memref<128x64xf32, #tpu.memory_space<hbm>>) target_semaphore(%arg29 : memref<!tpu.dma_semaphore, #tpu.memory_space<semaphore_mem>>)
      %scan3A_429 = arith.constant 0 : i32
      scf.yield %scan3A_429 : i32
    }
    %scan3A_166 = arith.constant 24 : i32
    %dma_wait3A_167 = arith.constant 0 : i32
    %dma_wait3A_168 = tpu.memref_slice %arg4[%mul3A_2, %dma_wait3A_167] : memref<819200x128xf32, #tpu.memory_space<hbm>> -> memref<128x64xf32, #tpu.memory_space<hbm>>
    %dma_wait3A_169 = arith.constant 0 : i32
    %dma_wait3A_170 = tpu.memref_slice %arg4[%mul3A_2, %dma_wait3A_169] : memref<819200x128xf32, #tpu.memory_space<hbm>> -> memref<128x64xf32, #tpu.memory_space<hbm>>
    tpu.wait_dma2 semaphore(%arg22 : memref<!tpu.dma_semaphore, #tpu.memory_space<semaphore_mem>>) src(%arg6 : memref<128x64xf32, #tpu.memory_space<vmem>>) dst(%dma_wait3A_170 : memref<128x64xf32, #tpu.memory_space<hbm>>)
    %dma_wait3A_171 = arith.constant 0 : i32
    %dma_wait3A_172 = tpu.memref_slice %arg4[%mul3A_2, %dma_wait3A_171] : memref<819200x128xf32, #tpu.memory_space<hbm>> -> memref<128x64xf32, #tpu.memory_space<hbm>>
    %dma_wait3A_173 = arith.constant 0 : i32
    %dma_wait3A_174 = tpu.memref_slice %arg4[%mul3A_2, %dma_wait3A_173] : memref<819200x128xf32, #tpu.memory_space<hbm>> -> memref<128x64xf32, #tpu.memory_space<hbm>>
    tpu.wait_dma2 semaphore(%arg23 : memref<!tpu.dma_semaphore, #tpu.memory_space<semaphore_mem>>) src(%arg7 : memref<128x64xf32, #tpu.memory_space<vmem>>) dst(%dma_wait3A_174 : memref<128x64xf32, #tpu.memory_space<hbm>>)
    %dma_wait3A_175 = arith.constant 0 : i32
    %dma_wait3A_176 = tpu.memref_slice %arg4[%mul3A_2, %dma_wait3A_175] : memref<819200x128xf32, #tpu.memory_space<hbm>> -> memref<128x64xf32, #tpu.memory_space<hbm>>
    %dma_wait3A_177 = arith.constant 0 : i32
    %dma_wait3A_178 = tpu.memref_slice %arg4[%mul3A_2, %dma_wait3A_177] : memref<819200x128xf32, #tpu.memory_space<hbm>> -> memref<128x64xf32, #tpu.memory_space<hbm>>
    tpu.wait_dma2 semaphore(%arg24 : memref<!tpu.dma_semaphore, #tpu.memory_space<semaphore_mem>>) src(%arg8 : memref<128x64xf32, #tpu.memory_space<vmem>>) dst(%dma_wait3A_178 : memref<128x64xf32, #tpu.memory_space<hbm>>)
    %dma_wait3A_179 = arith.constant 0 : i32
    %dma_wait3A_180 = tpu.memref_slice %arg4[%mul3A_2, %dma_wait3A_179] : memref<819200x128xf32, #tpu.memory_space<hbm>> -> memref<128x64xf32, #tpu.memory_space<hbm>>
    %dma_wait3A_181 = arith.constant 0 : i32
    %dma_wait3A_182 = tpu.memref_slice %arg4[%mul3A_2, %dma_wait3A_181] : memref<819200x128xf32, #tpu.memory_space<hbm>> -> memref<128x64xf32, #tpu.memory_space<hbm>>
    tpu.wait_dma2 semaphore(%arg25 : memref<!tpu.dma_semaphore, #tpu.memory_space<semaphore_mem>>) src(%arg9 : memref<128x64xf32, #tpu.memory_space<vmem>>) dst(%dma_wait3A_182 : memref<128x64xf32, #tpu.memory_space<hbm>>)
    %dma_wait3A_183 = arith.constant 0 : i32
    %dma_wait3A_184 = tpu.memref_slice %arg4[%mul3A_2, %dma_wait3A_183] : memref<819200x128xf32, #tpu.memory_space<hbm>> -> memref<128x64xf32, #tpu.memory_space<hbm>>
    %dma_wait3A_185 = arith.constant 0 : i32
    %dma_wait3A_186 = tpu.memref_slice %arg4[%mul3A_2, %dma_wait3A_185] : memref<819200x128xf32, #tpu.memory_space<hbm>> -> memref<128x64xf32, #tpu.memory_space<hbm>>
    tpu.wait_dma2 semaphore(%arg26 : memref<!tpu.dma_semaphore, #tpu.memory_space<semaphore_mem>>) src(%arg10 : memref<128x64xf32, #tpu.memory_space<vmem>>) dst(%dma_wait3A_186 : memref<128x64xf32, #tpu.memory_space<hbm>>)
    %dma_wait3A_187 = arith.constant 0 : i32
    %dma_wait3A_188 = tpu.memref_slice %arg4[%mul3A_2, %dma_wait3A_187] : memref<819200x128xf32, #tpu.memory_space<hbm>> -> memref<128x64xf32, #tpu.memory_space<hbm>>
    %dma_wait3A_189 = arith.constant 0 : i32
    %dma_wait3A_190 = tpu.memref_slice %arg4[%mul3A_2, %dma_wait3A_189] : memref<819200x128xf32, #tpu.memory_space<hbm>> -> memref<128x64xf32, #tpu.memory_space<hbm>>
    tpu.wait_dma2 semaphore(%arg27 : memref<!tpu.dma_semaphore, #tpu.memory_space<semaphore_mem>>) src(%arg11 : memref<128x64xf32, #tpu.memory_space<vmem>>) dst(%dma_wait3A_190 : memref<128x64xf32, #tpu.memory_space<hbm>>)
    %dma_wait3A_191 = arith.constant 0 : i32
    %dma_wait3A_192 = tpu.memref_slice %arg4[%mul3A_2, %dma_wait3A_191] : memref<819200x128xf32, #tpu.memory_space<hbm>> -> memref<128x64xf32, #tpu.memory_space<hbm>>
    %dma_wait3A_193 = arith.constant 0 : i32
    %dma_wait3A_194 = tpu.memref_slice %arg4[%mul3A_2, %dma_wait3A_193] : memref<819200x128xf32, #tpu.memory_space<hbm>> -> memref<128x64xf32, #tpu.memory_space<hbm>>
    tpu.wait_dma2 semaphore(%arg28 : memref<!tpu.dma_semaphore, #tpu.memory_space<semaphore_mem>>) src(%arg12 : memref<128x64xf32, #tpu.memory_space<vmem>>) dst(%dma_wait3A_194 : memref<128x64xf32, #tpu.memory_space<hbm>>)
    %dma_wait3A_195 = arith.constant 0 : i32
    %dma_wait3A_196 = tpu.memref_slice %arg4[%mul3A_2, %dma_wait3A_195] : memref<819200x128xf32, #tpu.memory_space<hbm>> -> memref<128x64xf32, #tpu.memory_space<hbm>>
    %dma_wait3A_197 = arith.constant 0 : i32
    %dma_wait3A_198 = tpu.memref_slice %arg4[%mul3A_2, %dma_wait3A_197] : memref<819200x128xf32, #tpu.memory_space<hbm>> -> memref<128x64xf32, #tpu.memory_space<hbm>>
    tpu.wait_dma2 semaphore(%arg29 : memref<!tpu.dma_semaphore, #tpu.memory_space<semaphore_mem>>) src(%arg13 : memref<128x64xf32, #tpu.memory_space<vmem>>) dst(%dma_wait3A_198 : memref<128x64xf32, #tpu.memory_space<hbm>>)
    return
  }
}

</mosaic_0001>

<sc_bundles>
// kernel: _emb_lookup.3.cloned.1.call-start
scs
__scs_entry_jumppad:
0x0: {  	(pc) =	sbr.rel $0x88, $3  }
0x1: {  	(tag) =	ssettag $0x0;
	lr =	simm.s32 $0x1  }
0x2: {  	[smem:$0x3F9F] =	sst lr;
	_ =	strace $0xD0000000  }
0x3: {  	_ = 	snop  }
0x4: {  	_ = 	snop  }
0x5: {  	_ = 	snop  }
0x6: {  	_ = 	snop  }
0x7: {  	_ = 	snop  }
__scs_overlays_trampoline_lowered:
0x8: {  	[smem:$0x3FAE] =	sst s0  }
0x9: {  	[smem:$0x3FAF] =	sst s1  }
0xa: {  	[smem:$0x3FB0] =	sst s2  }
0xb: {  	[smem:$0x3FB1] =	sst s3  }
0xc: {  	[smem:$0x3FB2] =	sst s4  }
0xd: {  	[smem:$0x3FB3] =	sst s5  }
0xe: {  	[smem:$0x3FB4] =	sst s6  }
0xf: {  	[smem:$0x3FB5] =	sst s7  }
0x10: {  	[smem:$0x3FB6] =	sst s8  }
0x11: {  	[smem:$0x3FB7] =	sst s9;
	s0 =	simm.s32 @!p0 $0x0  }
0x12: {  	s1 =	sld [smem:$0x3F9D];
	s0 =	simm.s32 @p0 $0x1  }
0x13: {  	[smem:$0x3FB8] =	sst s0;
	s0 =	simm.s32 @!p1 $0x0  }
0x14: {  	s2 =	sld [smem:$0x3F9C];
	s0 =	simm.s32 @p1 $0x1  }
0x15: {  	[smem:$0x3FB9] =	sst s0;
	s0 =	simm.s32 @!p2 $0x0  }
0x16: {  	s3 =	sld [smem:$0x3FDB];
	s0 =	simm.s32 @p2 $0x1  }
0x17: {  	s4 =	simm.s32 $0x1BF5;
	[smem:$0x3FBB] =	sst s0  }
0x18: {  	s0 =	sld [smem:$0x3F9E];
	_ =	swait.ge [sflag:s4], $0x0  }
0x19: {  	s7 =	sld [smem:$0x3F9F]  }
0x1a: {  	s8 =	sadd.s32 $0xFFFFE003, lr  }
0x1b: {  	s9 =	sadd.s32 $0xFFFFFEF7, lr;
	s5 =	simm.s32 $0xFFFFFFFF;
	p2 =	slt.u32 s8, $0xFFFFF086  }
0x1c: {  	p1 =	slt.u32 s9, $0xF7A;
	s5 =	simm.s32 @!p2 $0x0  }
0x1d: {  	s5 =	simm.s32 @p1 $0x1;
	p0 =	seq.s32 s7, s2  }
0x1e: {  	s7 =	smul.u32 @!p0 $0xF7A, s2;
	p2 =	seq.s32 @!p0 s5, $0x0  }
0x1f: {  	s9 =	smul.u32 $0xF7A, s1;
	s8 =	simm.s32 @!p0 $0x1BF5;
	p2 =	por !p2, p0  }
0x20: {  	[sflag:s8] =	ssyncset.s32 @!p0 $0xFFFFF086;
	s6 =	sadd.s32 @!p0 s3, s7;
	s7 =	simm.s32 @!p0 $0x108  }
0x21: {  	s3 =	sadd.s32 s3, s9;
	s6 =	sadd.s32 @!p0 $0x88, s6;
	s7 =	simm.s32 @p2 $0x1082  }
0x22: {  	[simem:s7], [sflag:s8] =	dma.local @!p0 [hbm:s6], $0xF7A  }
0x23: {  	s9 =	sor.u32 $0xD0000000, s2;
	s6 =	simm.s32 $0x108;
	_ =	swait.ge @!p0 [sflag:s8], $0x0  }
0x24: {  	s3 =	sadd.s32 $0x88, s3;
	s6 =	simm.s32 @!p1 $0x1082;
	[sflag:s4] =	ssyncset.s32 $0xFFFFF086  }
0x25: {  	[simem:s6], [sflag:s4] =	dma.local [hbm:s3], $0xF7A  }
0x26: {  	[smem:$0x3F9F] =	sst s1;
	(tag) =	ssettag s2;
	_ =	strace s9  }
0x27: {  	s1 =	sld [smem:$0x3FAF]  }
0x28: {  	s2 =	sld [smem:$0x3FB0]  }
0x29: {  	s4 =	sld [smem:$0x3FB2]  }
0x2a: {  	p0 =	seq.s32 s5, $0x0;
	s5 =	sld [smem:$0x3FB3]  }
0x2b: {  	s6 =	sld [smem:$0x3FB4]  }
0x2c: {  	s7 =	sld [smem:$0x3FB5]  }
0x2d: {  	s3 =	simm.s32 $0x108;
	s8 =	sld [smem:$0x3FB6]  }
0x2e: {  	s3 =	simm.s32 @!p0 $0x1082;
	s9 =	sld [smem:$0x3FB7]  }
0x2f: {  	lr =	sadd.s32 s0, s3;
	s0 =	sld [smem:$0x3FAE]  }
0x30: {  	s3 =	sld [smem:$0x3FB1]  }
0x31: {  	[smem:$0x3FBA] =	sst s10  }
0x32: {  	s10 =	sld [smem:$0x3FB8];
	_ =	sdelay $0x3  }
0x33: {  	p0 =	seq.s32 s10, $0x1;
	s10 =	sld [smem:$0x3FBA];
	_ =	sdelay $0x3  }
0x34: {  	[smem:$0x3FBA] =	sst s10  }
0x35: {  	s10 =	sld [smem:$0x3FB9];
	_ =	sdelay $0x3  }
0x36: {  	p1 =	seq.s32 s10, $0x1;
	s10 =	sld [smem:$0x3FBA];
	_ =	sdelay $0x3  }
0x37: {  	[smem:$0x3FBA] =	sst s10  }
0x38: {  	s10 =	sld [smem:$0x3FBB]  }
0x39: {  	_ = 	snop;
	(pc) =	sbr.ind lr, $3  }
0x3a: {  	_ = 	snop  }
0x3b: {  	_ = 	snop  }
0x3c: {  	p2 =	seq.s32 s10, $0x1;
	s10 =	sld [smem:$0x3FBA]  }
0x3d: {  	_ =	shalt  }
0x3e: {  	_ =	shalt  }
0x3f: {  	_ =	shalt  }
0x40: {  	_ =	shalt  }
0x41: {  	_ =	shalt  }
0x42: {  	_ =	shalt  }
0x43: {  	_ =	shalt  }
0x44: {  	_ =	shalt  }
0x45: {  	_ =	shalt  }
0x46: {  	_ =	shalt  }
0x47: {  	_ =	shalt  }
0x48: {  	_ =	shalt  }
0x49: {  	_ =	shalt  }
0x4a: {  	_ =	shalt  }
0x4b: {  	_ =	shalt  }
0x4c: {  	_ =	shalt  }
0x4d: {  	_ =	shalt  }
0x4e: {  	_ =	shalt  }
0x4f: {  	_ =	shalt  }
0x50: {  	_ =	shalt  }
0x51: {  	_ =	shalt  }
0x52: {  	_ =	shalt  }
0x53: {  	_ =	shalt  }
0x54: {  	_ =	shalt  }
0x55: {  	_ =	shalt  }
0x56: {  	_ =	shalt  }
0x57: {  	_ =	shalt  }
0x58: {  	_ =	shalt  }
0x59: {  	_ =	shalt  }
0x5a: {  	_ =	shalt  }
0x5b: {  	_ =	shalt  }
0x5c: {  	_ =	shalt  }
0x5d: {  	_ =	shalt  }
0x5e: {  	_ =	shalt  }
0x5f: {  	_ =	shalt  }
0x60: {  	_ =	shalt  }
0x61: {  	_ =	shalt  }
0x62: {  	_ =	shalt  }
0x63: {  	_ =	shalt  }
0x64: {  	_ =	shalt  }
0x65: {  	_ =	shalt  }
0x66: {  	_ =	shalt  }
0x67: {  	_ =	shalt  }
0x68: {  	_ =	shalt  }
0x69: {  	_ =	shalt  }
0x6a: {  	_ =	shalt  }
0x6b: {  	_ =	shalt  }
0x6c: {  	_ =	shalt  }
0x6d: {  	_ =	shalt  }
0x6e: {  	_ =	shalt  }
0x6f: {  	_ =	shalt  }
0x70: {  	_ =	shalt  }
0x71: {  	_ =	shalt  }
0x72: {  	_ =	shalt  }
0x73: {  	_ =	shalt  }
0x74: {  	_ =	shalt  }
0x75: {  	_ =	shalt  }
0x76: {  	_ =	shalt  }
0x77: {  	_ =	shalt  }
0x78: {  	_ =	shalt  }
0x79: {  	_ =	shalt  }
0x7a: {  	_ =	shalt  }
0x7b: {  	_ =	shalt  }
0x7c: {  	_ =	shalt  }
0x7d: {  	_ =	shalt  }
0x7e: {  	_ =	shalt  }
0x7f: {  	_ =	shalt  }
0x80: {  	_ =	shalt  }
0x81: {  	_ =	shalt  }
0x82: {  	_ =	shalt  }
0x83: {  	_ =	shalt  }
0x84: {  	_ =	shalt  }
0x85: {  	_ =	shalt  }
0x86: {  	_ =	shalt  }
0x87: {  	_ =	shalt  }
.Lfunc_end0:
.L_simem_size_0:
called_computation_lowered:
.L_overlay_start_0:
0x88: {  	s2 =	sld [smem:$0x3FD9]  }
0x89: {  	s3 =	sld [smem:$0x3FFE];
	_ =	sdelay $0x1  }
0x8a: {  	s1 =	srdreg.scid  }
0x8b: {  	s0 =	sand.u32 $0x1, s1  }
0x8c: {  	s17 =	sshll.u32 s0, $0xA;
	s2 =	sadd.s32 s3, s2  }
0x8d: {  	s2 =	sadd.s32 s2, s17  }
0x8e: {  	[smem:$0x3FC6] =	sst s2  }
0x8f: {  	_ = 	snop  }
0x90: {  	s2 =	sld [smem:$0x3FC9]  }
0x91: {  	s18 =	sld [smem:$0x3FD0];
	(tm) =	ssettm $0x1  }
0x92: {  	s4 =	sld [smem:$0x3FFB];
	_ =	sdelay $0x3  }
0x93: {  	_ =	strace s4  }
0x94: {  	s4 =	sld [smem:$0x3FFC];
	_ =	sdelay $0x3  }
0x95: {  	_ =	strace s4  }
0x96: {  	s4 =	sld [smem:$0x3FFD];
	_ =	sdelay $0x3  }
0x97: {  	_ =	strace s4  }
0x98: {  	_ =	strace $0x8FFFFFFF  }
0x99: {  	s19 =	sld [smem:$0x3FDB];
	_ =	sdelay $0x1  }
0x9a: {  	s5 =	simm.s32 $_scs_section_size  }
0x9b: {  	s6 =	simm.s32 $_size__tile_overlayer_lowered;
	s7 =	simm.s32 $_tile_overlayer_lowered  }
0x9c: {  	s22 =	simm.s32 $0x1BFF;
	s21 =	sshll.u32 s7, $0x1;
	s4 =	sadd.s32 s5, s19  }
0x9d: {  	s8 =	simm.s32 $0x0;
	s20 =	sshll.u32 s6, $0x1;
	s6 =	sadd.s32 s21, s4  }
0x9e: {  	[timem:s8], [sflag:s22] =	dma.local [hbm:s6], s20  }
0x9f: {  	_ =	swait.ge [sflag:s22], s20  }
0xa0: {  	s5 =	ssub.s32 $0x0, s20;
	[sflag:s22] =	ssyncset.done $0x0  }
0xa1: {  	[sflag:s22] =	ssyncadd.s32 s5;
	_ =	sdelay $0x1  }
0xa2: {  	s23 =	simm.s32 $0x1B8B  }
0xa3: {  	_ =	swait.ge [sflag:s23], $0x1  }
0xa4: {  	[sflag:s23] =	ssyncset.done $0x0  }
0xa5: {  	s25 =	simm.s32 $0x1B8E;
	s24 =	sld [smem:$0x3FFE];
	[sflag:s23] =	ssyncadd.s32 $0xFFFFFFFF  }
0xa6: {  	s26 =	simm.s32 $execute0_lowered;
	[smem:$0x3FD2] =	sst s25  }
0xa7: {  	s6 =	sshll.u32 s26, $0x1;
	_ =	strace $0x80000046;
	[dreg:$0x1] =	wrdreg $0xFFFFFFFF  }
0xa8: {  	s28 =	simm.s32 $_size_execute0_lowered;
	s4 =	sadd.s32 s4, s6;
	[dreg:$0x0] =	wrdreg $0x0  }
0xa9: {  	s6 =	sshll.u32 s28, $0x1;
	[dreg:$0x2] =	wrdreg s4  }
0xaa: {  	[dreg:$0x3] =	wrdreg s6  }
0xab: {  	[dreg:$0x4] =	wrdreg $0xC0  }
0xac: {  	_ =	task [dreg:s8], $0x5FFFF  }
0xad: {  	[dreg:$0x1] =	wrdreg $0xFFFFFFFF  }
0xae: {  	[dreg:$0x0] =	wrdreg $0x60  }
0xaf: {  	[dreg:$0x2] =	wrdreg s2  }
0xb0: {  	[dreg:$0x3] =	wrdreg s24  }
0xb1: {  	[dreg:$0x4] =	wrdreg s18  }
0xb2: {  	[dreg:$0x5] =	wrdreg $0x9  }
0xb3: {  	_ =	task.clear_ibuf [dreg:s8], $0x6FFFF;
	_ =	strace $0x90000046  }
0xb4: {  	s29 =	simm.s32 $0x9;
	_ =	strace $0x80000048  }
0xb5: {  	_ =	swait.ge [sflag:s29], $0x1  }
0xb6: {  	[sflag:s29] =	ssyncadd.s32 $0xFFFFFFFF  }
0xb7: {  	_ =	strace $0x90000048  }
0xb8: {  	_ =	sfence  }
0xb9: {  	s30 =	sld [smem:$0x0];
	_ =	sdelay $0x2  }
0xba: {  	s31 =	sshll.u32 s1, $0xD;
	s1 =	sshrl.u32 s1, $0x2  }
0xbb: {  	s3 =	sand.u32 $0x4000, s31;
	s1 =	sadd.s32 s1, s30  }
0xbc: {  	s0 =	sor.u32 s3, s0;
	s1 =	sshll.u32 s1, $0x11  }
0xbd: {  	s0 =	sor.u32 s1, s0  }
0xbe: {  	s0 =	sadd.s32 $0x8F2B, s0  }
0xbf: {  	[sflag:s0] =	ssyncadd.remote.s32 $0x1  }
0xc0: {  	_ =	sfence.sel $0xFFFF  }
0xc1: {  	[dreg:$0x0] =	wrdreg $0xFFFFFFFF;
	(pc) =	sbr.abs _section_cstart, $3  }
0xc2: {  	[dreg:$0x1] =	wrdreg $0xFFFFFFFF  }
0xc3: {  	_ =	task.clear_ibuf [dreg:s8], $0x2FFFF;
	_ =	strace $0x9FFFFFFF  }
0xc4: {  	(tm) =	ssettm $0x7FFFFFFF  }
0xc5: {  	_ =	shalt  }
tec
execute0_lowered:
.L_overlay_start_1:
0x0: {  	(tag) =	ssettag $0x1  }
0x1: {  	s0 =	rddreg [dreg:$0x0]  }
0x2: {  	s1 =	rddreg [dreg:$0x1]  }
0x3: {  	s2 =	rddreg [dreg:$0x2]  }
0x4: {  	s3 =	srdreg.scid;
	s6 =	stileid.u32  }
0x5: {  	s7 =	simm.s32 $0x0;
	s28 =	simm.s32 $0x12400;
	s30 =	simm.s32 $0x14400  }
0x6: {  	s31 =	simm.s32 $0x1;
	s29 =	simm.s32 $0x8;
	s8 =	simm.s32 $0xD  }
0x7: {  	s4 =	sand.u32 $0x1, s3;
	s5 =	smul.u32 $0xC800, s6;
	s6 =	sshll.u32 s6, $0x1  }
0x8: {  	[smem:$0x7FF] =	sst s7;
	s10 =	smul.u32 $0x6400, s4;
	s11 =	sor.u32 s4, s6  }
0x9: {  	s3 =	sadd.s32 $0x1E84C00, s1;
	s4 =	ssub.s32 $0x2, s4;
	s1 =	smul.u32 $0x64000, s11  }
0xa: {  	_ =	strace $0x80000047;
	s6 =	smul.u32 $0x6400, s11;
	s12 =	sshrl.u32 s4, $0x1  }
0xb: {  	s5 =	sadd.s32 s10, s5;
	s4 =	ssub.s32 s4, s12;
	s1 =	sadd.s32 s2, s1  }
0xc: {  	s6 =	sshrl.u32 s6, $0x3;
	s26 =	smax.u32 s4, $0x1;
	[dreg:$0xd] =	wrdreg s1  }
0xd: {  	s5 =	sshll.u32 s5, $0x4;
	s0 =	sadd.s32 s0, s6;
	[dreg:$0x15] =	wrdreg s26  }
0xe: {  	s5 =	sadd.s32 s2, s5;
	s2 =	sadd.s32 $0x800, s1;
	[dreg:$0xc] =	wrdreg s0  }
0xf: {  	s9 =	simm.s32 $0xE;
	s15 =	sadd.s32 $0x1000, s1;
	[dreg:$0xe] =	wrdreg s2  }
0x10: {  	s7 =	simm.s32 $0xC;
	s17 =	sadd.s32 $0x1800, s1;
	[dreg:$0xf] =	wrdreg s15  }
0x11: {  	s11 =	simm.s32 $0x10;
	s19 =	sadd.s32 $0x2000, s1;
	[dreg:$0x10] =	wrdreg s17  }
0x12: {  	s10 =	simm.s32 $0xF;
	s21 =	sadd.s32 $0x2800, s1;
	[dreg:$0x11] =	wrdreg s19  }
0x13: {  	s12 =	simm.s32 $0x0;
	s23 =	sadd.s32 $0x3000, s1;
	[dreg:$0x12] =	wrdreg s21  }
0x14: {  	s4 =	simm.s32 $0xA;
	s1 =	sadd.s32 $0x3800, s1;
	[dreg:$0x13] =	wrdreg s23  }
0x15: {  	s26 =	simm.s32 $0x7;
	s13 =	sadd.s32 $0x7000, s5;
	[dreg:$0x14] =	wrdreg s1  }
0x16: {  	s6 =	simm.s32 $0xB;
	s14 =	sadd.s32 $0x6800, s5;
	[dreg:$0x4] =	wrdreg s13  }
0x17: {  	s16 =	sadd.s32 $0x6000, s5;
	s18 =	sadd.s32 $0x5800, s5;
	[dreg:$0x5] =	wrdreg s14  }
0x18: {  	s20 =	sadd.s32 $0x5000, s5;
	s22 =	sadd.s32 $0x4800, s5;
	[dreg:$0x6] =	wrdreg s16  }
0x19: {  	s24 =	sadd.s32 $0x4000, s5;
	s25 =	sadd.s32 $0x7800, s5;
	[dreg:$0x7] =	wrdreg s18  }
0x1a: {  	s15 =	simm.s32 $0x80;
	s17 =	simm.s32 $0x8400;
	[dreg:$0x8] =	wrdreg s20  }
0x1b: {  	s19 =	simm.s32 $0xA400;
	s21 =	simm.s32 $0xC400;
	[dreg:$0x9] =	wrdreg s22  }
0x1c: {  	s23 =	simm.s32 $0xE400;
	s0 =	simm.s32 $0x40;
	[dreg:$0xa] =	wrdreg s24  }
0x1d: {  	s1 =	simm.s32 $0x2;
	s2 =	simm.s32 $0x9;
	[dreg:$0xb] =	wrdreg s25  }
0x1e: {  	s16 =	simm.s32 $0x6400;
	s25 =	simm.s32 $0x10400;
	s18 =	simm.s32 $0x3  }
0x1f: {  	s20 =	simm.s32 $0x4;
	s22 =	simm.s32 $0x5;
	s24 =	simm.s32 $0x6  }
.LBB2_1:
0x20: {  	[dreg:$0x16] =	wrdreg s12  }
0x21: {  	s5 =	simm.s32 $0x0;
	s13 =	rddreg [dreg:$0xc];
	s14 =	simm.s32 $0x11  }
0x22: {  	[tilespmem:s5], [sflag:$0x11] =	stream.linear.gather [hbm4b:s13+s5], $0x6400, $0x38;
	[tilespmem:$0x16400] =	vst v63  }
0x23: {  	_ =	swait.ge [sflag:s14], $0x6400  }
0x24: {  	[sflag:s14] =	ssyncset.done $0x0  }
0x25: {  	[sflag:s14] =	ssyncadd.s32 $0xFFFF9C00  }
0x26: {  	[tilespmem:s16], [sflag:$0x1] =	stream.indirect.gather [hbm4b:s3+s15], $0x40, s5, s15, $0xb8;
	[tilespmem:$0x16400] =	vst v63  }
0x27: {  	_ = 	snop  }
0x28: {  	[tilespmem:s17], [sflag:$0x2] =	stream.indirect.gather [hbm4b:s3+s15], $0x40, s15, s15, $0xb8;
	[tilespmem:$0x16400] =	vst v63  }
0x29: {  	s12 =	simm.s32 $0x100  }
0x2a: {  	[tilespmem:s19], [sflag:$0x3] =	stream.indirect.gather [hbm4b:s3+s15], $0x40, s12, s15, $0xb8;
	[tilespmem:$0x16400] =	vst v63  }
0x2b: {  	s13 =	simm.s32 $0x180  }
0x2c: {  	[tilespmem:s21], [sflag:$0x4] =	stream.indirect.gather [hbm4b:s3+s15], $0x40, s13, s15, $0xb8;
	[tilespmem:$0x16400] =	vst v63  }
0x2d: {  	s14 =	simm.s32 $0x200  }
0x2e: {  	[tilespmem:s23], [sflag:$0x5] =	stream.indirect.gather [hbm4b:s3+s15], $0x40, s14, s15, $0xb8;
	[tilespmem:$0x16400] =	vst v63  }
0x2f: {  	s12 =	simm.s32 $0x280  }
0x30: {  	[tilespmem:s25], [sflag:$0x6] =	stream.indirect.gather [hbm4b:s3+s15], $0x40, s12, s15, $0xb8;
	[tilespmem:$0x16400] =	vst v63  }
0x31: {  	s13 =	simm.s32 $0x300  }
0x32: {  	[tilespmem:s28], [sflag:$0x7] =	stream.indirect.gather [hbm4b:s3+s15], $0x40, s13, s15, $0xb8;
	[tilespmem:$0x16400] =	vst v63  }
0x33: {  	s14 =	simm.s32 $0x380  }
0x34: {  	[tilespmem:s30], [sflag:$0x8] =	stream.indirect.gather [hbm4b:s3+s15], $0x40, s14, s15, $0xb8;
	[tilespmem:$0x16400] =	vst v63  }
0x35: {  	_ =	swait.ge [sflag:s31], $0x2000  }
0x36: {  	[sflag:s31] =	ssyncset.done $0x0  }
0x37: {  	s12 =	rddreg [dreg:$0xd];
	[sflag:s31] =	ssyncadd.s32 $0xFFFFE000  }
0x38: {  	[hbm4b:s12+s0] =	stream.strided.scatter [tilespmem:s16], [sflag:$0x9], $0x2000, s15, s0, $0x38;
	[tilespmem:$0x16400] =	vst v63  }
0x39: {  	_ =	swait.ge [sflag:s1], $0x2000  }
0x3a: {  	[sflag:s1] =	ssyncset.done $0x0  }
0x3b: {  	s13 =	rddreg [dreg:$0xe];
	[sflag:s1] =	ssyncadd.s32 $0xFFFFE000  }
0x3c: {  	[hbm4b:s13+s0] =	stream.strided.scatter [tilespmem:s17], [sflag:$0xA], $0x2000, s15, s0, $0x38;
	[tilespmem:$0x16400] =	vst v63  }
0x3d: {  	_ =	swait.ge [sflag:s18], $0x2000  }
0x3e: {  	[sflag:s18] =	ssyncset.done $0x0  }
0x3f: {  	s14 =	rddreg [dreg:$0xf];
	[sflag:s18] =	ssyncadd.s32 $0xFFFFE000  }
0x40: {  	[hbm4b:s14+s0] =	stream.strided.scatter [tilespmem:s19], [sflag:$0xB], $0x2000, s15, s0, $0x38;
	[tilespmem:$0x16400] =	vst v63  }
0x41: {  	_ =	swait.ge [sflag:s20], $0x2000  }
0x42: {  	[sflag:s20] =	ssyncset.done $0x0  }
0x43: {  	s12 =	rddreg [dreg:$0x10];
	[sflag:s20] =	ssyncadd.s32 $0xFFFFE000  }
0x44: {  	[hbm4b:s12+s0] =	stream.strided.scatter [tilespmem:s21], [sflag:$0xC], $0x2000, s15, s0, $0x38;
	[tilespmem:$0x16400] =	vst v63  }
0x45: {  	_ =	swait.ge [sflag:s22], $0x2000  }
0x46: {  	[sflag:s22] =	ssyncset.done $0x0  }
0x47: {  	s13 =	rddreg [dreg:$0x11];
	[sflag:s22] =	ssyncadd.s32 $0xFFFFE000  }
0x48: {  	[hbm4b:s13+s0] =	stream.strided.scatter [tilespmem:s23], [sflag:$0xD], $0x2000, s15, s0, $0x38;
	[tilespmem:$0x16400] =	vst v63  }
0x49: {  	_ =	swait.ge [sflag:s24], $0x2000  }
0x4a: {  	[sflag:s24] =	ssyncset.done $0x0  }
0x4b: {  	s14 =	rddreg [dreg:$0x12];
	[sflag:s24] =	ssyncadd.s32 $0xFFFFE000  }
0x4c: {  	[hbm4b:s14+s0] =	stream.strided.scatter [tilespmem:s25], [sflag:$0xE], $0x2000, s15, s0, $0x38;
	[tilespmem:$0x16400] =	vst v63  }
0x4d: {  	_ =	swait.ge [sflag:s26], $0x2000  }
0x4e: {  	[sflag:s26] =	ssyncset.done $0x0  }
0x4f: {  	s12 =	rddreg [dreg:$0x13];
	[sflag:s26] =	ssyncadd.s32 $0xFFFFE000  }
0x50: {  	[hbm4b:s12+s0] =	stream.strided.scatter [tilespmem:s28], [sflag:$0xF], $0x2000, s15, s0, $0x38;
	[tilespmem:$0x16400] =	vst v63  }
0x51: {  	_ =	swait.ge [sflag:s29], $0x2000  }
0x52: {  	[sflag:s29] =	ssyncset.done $0x0  }
0x53: {  	s13 =	rddreg [dreg:$0x14];
	[sflag:s29] =	ssyncadd.s32 $0xFFFFE000  }
0x54: {  	[hbm4b:s13+s0] =	stream.strided.scatter [tilespmem:s30], [sflag:$0x10], $0x2000, s15, s0, $0x38;
	[tilespmem:$0x16400] =	vst v63  }
0x55: {  	_ =	swait.ge [sflag:s2], $0x2000  }
0x56: {  	[sflag:s2] =	ssyncset.done $0x0  }
0x57: {  	s14 =	simm.s32 $0x400;
	[sflag:s2] =	ssyncadd.s32 $0xFFFFE000  }
0x58: {  	[tilespmem:s16], [sflag:$0x1] =	stream.indirect.gather [hbm4b:s3+s15], $0x40, s14, s15, $0xb8;
	[tilespmem:$0x16400] =	vst v63  }
0x59: {  	_ =	swait.ge [sflag:s4], $0x2000  }
0x5a: {  	[sflag:s4] =	ssyncset.done $0x0  }
0x5b: {  	s12 =	simm.s32 $0x480;
	[sflag:s4] =	ssyncadd.s32 $0xFFFFE000  }
0x5c: {  	[tilespmem:s17], [sflag:$0x2] =	stream.indirect.gather [hbm4b:s3+s15], $0x40, s12, s15, $0xb8;
	[tilespmem:$0x16400] =	vst v63  }
0x5d: {  	_ =	swait.ge [sflag:s6], $0x2000  }
0x5e: {  	[sflag:s6] =	ssyncset.done $0x0  }
0x5f: {  	s13 =	simm.s32 $0x500;
	[sflag:s6] =	ssyncadd.s32 $0xFFFFE000  }
0x60: {  	[tilespmem:s19], [sflag:$0x3] =	stream.indirect.gather [hbm4b:s3+s15], $0x40, s13, s15, $0xb8;
	[tilespmem:$0x16400] =	vst v63  }
0x61: {  	_ =	swait.ge [sflag:s7], $0x2000  }
0x62: {  	[sflag:s7] =	ssyncset.done $0x0  }
0x63: {  	s14 =	simm.s32 $0x580;
	[sflag:s7] =	ssyncadd.s32 $0xFFFFE000  }
0x64: {  	[tilespmem:s21], [sflag:$0x4] =	stream.indirect.gather [hbm4b:s3+s15], $0x40, s14, s15, $0xb8;
	[tilespmem:$0x16400] =	vst v63  }
0x65: {  	_ =	swait.ge [sflag:s8], $0x2000  }
0x66: {  	[sflag:s8] =	ssyncset.done $0x0  }
0x67: {  	s12 =	simm.s32 $0x600;
	[sflag:s8] =	ssyncadd.s32 $0xFFFFE000  }
0x68: {  	[tilespmem:s23], [sflag:$0x5] =	stream.indirect.gather [hbm4b:s3+s15], $0x40, s12, s15, $0xb8;
	[tilespmem:$0x16400] =	vst v63  }
0x69: {  	_ =	swait.ge [sflag:s9], $0x2000  }
0x6a: {  	[sflag:s9] =	ssyncset.done $0x0  }
0x6b: {  	s13 =	simm.s32 $0x680;
	[sflag:s9] =	ssyncadd.s32 $0xFFFFE000  }
0x6c: {  	[tilespmem:s25], [sflag:$0x6] =	stream.indirect.gather [hbm4b:s3+s15], $0x40, s13, s15, $0xb8;
	[tilespmem:$0x16400] =	vst v63  }
0x6d: {  	_ =	swait.ge [sflag:s10], $0x2000  }
0x6e: {  	[sflag:s10] =	ssyncset.done $0x0  }
0x6f: {  	s14 =	simm.s32 $0x700;
	[sflag:s10] =	ssyncadd.s32 $0xFFFFE000  }
0x70: {  	[tilespmem:s28], [sflag:$0x7] =	stream.indirect.gather [hbm4b:s3+s15], $0x40, s14, s15, $0xb8;
	[tilespmem:$0x16400] =	vst v63  }
0x71: {  	_ =	swait.ge [sflag:s11], $0x2000  }
0x72: {  	[sflag:s11] =	ssyncset.done $0x0  }
0x73: {  	s12 =	simm.s32 $0x780;
	[sflag:s11] =	ssyncadd.s32 $0xFFFFE000  }
0x74: {  	[tilespmem:s30], [sflag:$0x8] =	stream.indirect.gather [hbm4b:s3+s15], $0x40, s12, s15, $0xb8;
	[tilespmem:$0x16400] =	vst v63  }
0x75: {  	_ =	swait.ge [sflag:s31], $0x2000  }
0x76: {  	s13 =	rddreg [dreg:$0xa];
	[sflag:s31] =	ssyncset.done $0x0  }
0x77: {  	[sflag:s31] =	ssyncadd.s32 $0xFFFFE000;
	s5 =	sadd.s32 $0x0, s13  }
0x78: {  	[hbm4b:s5+s0] =	stream.strided.scatter [tilespmem:s16], [sflag:$0x9], $0x2000, s15, s0, $0x38;
	[tilespmem:$0x16400] =	vst v63  }
0x79: {  	_ =	swait.ge [sflag:s1], $0x2000  }
0x7a: {  	s14 =	rddreg [dreg:$0x9];
	[sflag:s1] =	ssyncset.done $0x0  }
0x7b: {  	[sflag:s1] =	ssyncadd.s32 $0xFFFFE000;
	s5 =	sadd.s32 $0x0, s14  }
0x7c: {  	[hbm4b:s5+s0] =	stream.strided.scatter [tilespmem:s17], [sflag:$0xA], $0x2000, s15, s0, $0x38;
	[tilespmem:$0x16400] =	vst v63  }
0x7d: {  	_ =	swait.ge [sflag:s18], $0x2000  }
0x7e: {  	s12 =	rddreg [dreg:$0x8];
	[sflag:s18] =	ssyncset.done $0x0  }
0x7f: {  	[sflag:s18] =	ssyncadd.s32 $0xFFFFE000;
	s5 =	sadd.s32 $0x0, s12  }
0x80: {  	[hbm4b:s5+s0] =	stream.strided.scatter [tilespmem:s19], [sflag:$0xB], $0x2000, s15, s0, $0x38;
	[tilespmem:$0x16400] =	vst v63  }
0x81: {  	_ =	swait.ge [sflag:s20], $0x2000  }
0x82: {  	s13 =	rddreg [dreg:$0x7];
	[sflag:s20] =	ssyncset.done $0x0  }
0x83: {  	[sflag:s20] =	ssyncadd.s32 $0xFFFFE000;
	s5 =	sadd.s32 $0x0, s13  }
0x84: {  	[hbm4b:s5+s0] =	stream.strided.scatter [tilespmem:s21], [sflag:$0xC], $0x2000, s15, s0, $0x38;
	[tilespmem:$0x16400] =	vst v63  }
0x85: {  	_ =	swait.ge [sflag:s22], $0x2000  }
0x86: {  	s14 =	rddreg [dreg:$0x6];
	[sflag:s22] =	ssyncset.done $0x0  }
0x87: {  	[sflag:s22] =	ssyncadd.s32 $0xFFFFE000;
	s5 =	sadd.s32 $0x0, s14  }
0x88: {  	[hbm4b:s5+s0] =	stream.strided.scatter [tilespmem:s23], [sflag:$0xD], $0x2000, s15, s0, $0x38;
	[tilespmem:$0x16400] =	vst v63  }
0x89: {  	_ =	swait.ge [sflag:s24], $0x2000  }
0x8a: {  	s12 =	rddreg [dreg:$0x5];
	[sflag:s24] =	ssyncset.done $0x0  }
0x8b: {  	[sflag:s24] =	ssyncadd.s32 $0xFFFFE000;
	s5 =	sadd.s32 $0x0, s12  }
0x8c: {  	[hbm4b:s5+s0] =	stream.strided.scatter [tilespmem:s25], [sflag:$0xE], $0x2000, s15, s0, $0x38;
	[tilespmem:$0x16400] =	vst v63  }
0x8d: {  	_ =	swait.ge [sflag:s26], $0x2000  }
0x8e: {  	s13 =	rddreg [dreg:$0x4];
	[sflag:s26] =	ssyncset.done $0x0  }
0x8f: {  	[sflag:s26] =	ssyncadd.s32 $0xFFFFE000;
	s5 =	sadd.s32 $0x0, s13  }
0x90: {  	[hbm4b:s5+s0] =	stream.strided.scatter [tilespmem:s28], [sflag:$0xF], $0x2000, s15, s0, $0x38;
	[tilespmem:$0x16400] =	vst v63  }
0x91: {  	_ =	swait.ge [sflag:s29], $0x2000  }
0x92: {  	s13 =	simm.s32 $0x4000;
	s14 =	rddreg [dreg:$0xb];
	[sflag:s29] =	ssyncset.done $0x0  }
0x93: {  	s5 =	simm.s32 $0x800;
	[sflag:s29] =	ssyncadd.s32 $0xFFFFE000;
	s14 =	sadd.s32 $0x0, s14  }
.LBB2_2:
0x94: {  	[hbm4b:s14+s0] =	stream.strided.scatter [tilespmem:s30], [sflag:$0x10], $0x2000, s15, s0, $0x38;
	[tilespmem:$0x16400] =	vst v63  }
0x95: {  	_ =	swait.ge [sflag:s2], $0x2000  }
0x96: {  	[sflag:s2] =	ssyncset.done $0x0  }
0x97: {  	[sflag:s2] =	ssyncadd.s32 $0xFFFFE000  }
0x98: {  	[tilespmem:s16], [sflag:$0x1] =	stream.indirect.gather [hbm4b:s3+s15], $0x40, s5, s15, $0xb8;
	[tilespmem:$0x16400] =	vst v63  }
0x99: {  	_ =	swait.ge [sflag:s4], $0x2000  }
0x9a: {  	[sflag:s4] =	ssyncset.done $0x0  }
0x9b: {  	s12 =	sadd.s32 $0x80, s5;
	[sflag:s4] =	ssyncadd.s32 $0xFFFFE000  }
0x9c: {  	[tilespmem:s17], [sflag:$0x2] =	stream.indirect.gather [hbm4b:s3+s15], $0x40, s12, s15, $0xb8;
	[tilespmem:$0x16400] =	vst v63  }
0x9d: {  	_ =	swait.ge [sflag:s6], $0x2000  }
0x9e: {  	[sflag:s6] =	ssyncset.done $0x0  }
0x9f: {  	s12 =	sadd.s32 $0x100, s5;
	[sflag:s6] =	ssyncadd.s32 $0xFFFFE000  }
0xa0: {  	[tilespmem:s19], [sflag:$0x3] =	stream.indirect.gather [hbm4b:s3+s15], $0x40, s12, s15, $0xb8;
	[tilespmem:$0x16400] =	vst v63  }
0xa1: {  	_ =	swait.ge [sflag:s7], $0x2000  }
0xa2: {  	[sflag:s7] =	ssyncset.done $0x0  }
0xa3: {  	s12 =	sadd.s32 $0x180, s5;
	[sflag:s7] =	ssyncadd.s32 $0xFFFFE000  }
0xa4: {  	[tilespmem:s21], [sflag:$0x4] =	stream.indirect.gather [hbm4b:s3+s15], $0x40, s12, s15, $0xb8;
	[tilespmem:$0x16400] =	vst v63  }
0xa5: {  	_ =	swait.ge [sflag:s8], $0x2000  }
0xa6: {  	[sflag:s8] =	ssyncset.done $0x0  }
0xa7: {  	s12 =	sadd.s32 $0x200, s5;
	[sflag:s8] =	ssyncadd.s32 $0xFFFFE000  }
0xa8: {  	[tilespmem:s23], [sflag:$0x5] =	stream.indirect.gather [hbm4b:s3+s15], $0x40, s12, s15, $0xb8;
	[tilespmem:$0x16400] =	vst v63  }
0xa9: {  	_ =	swait.ge [sflag:s9], $0x2000  }
0xaa: {  	[sflag:s9] =	ssyncset.done $0x0  }
0xab: {  	s12 =	sadd.s32 $0x280, s5;
	[sflag:s9] =	ssyncadd.s32 $0xFFFFE000  }
0xac: {  	[tilespmem:s25], [sflag:$0x6] =	stream.indirect.gather [hbm4b:s3+s15], $0x40, s12, s15, $0xb8;
	[tilespmem:$0x16400] =	vst v63  }
0xad: {  	_ =	swait.ge [sflag:s10], $0x2000  }
0xae: {  	[sflag:s10] =	ssyncset.done $0x0  }
0xaf: {  	s12 =	sadd.s32 $0x300, s5;
	[sflag:s10] =	ssyncadd.s32 $0xFFFFE000  }
0xb0: {  	[tilespmem:s28], [sflag:$0x7] =	stream.indirect.gather [hbm4b:s3+s15], $0x40, s12, s15, $0xb8;
	[tilespmem:$0x16400] =	vst v63  }
0xb1: {  	_ =	swait.ge [sflag:s11], $0x2000  }
0xb2: {  	[sflag:s11] =	ssyncset.done $0x0  }
0xb3: {  	s12 =	sadd.s32 $0x380, s5;
	[sflag:s11] =	ssyncadd.s32 $0xFFFFE000  }
0xb4: {  	[tilespmem:s30], [sflag:$0x8] =	stream.indirect.gather [hbm4b:s3+s15], $0x40, s12, s15, $0xb8;
	[tilespmem:$0x16400] =	vst v63  }
0xb5: {  	_ =	swait.ge [sflag:s31], $0x2000  }
0xb6: {  	s14 =	smov.u32 s13;
	s12 =	rddreg [dreg:$0xa];
	[sflag:s31] =	ssyncset.done $0x0  }
0xb7: {  	[sflag:s31] =	ssyncadd.s32 $0xFFFFE000;
	s12 =	sadd.s32 s14, s12  }
0xb8: {  	[hbm4b:s12+s0] =	stream.strided.scatter [tilespmem:s16], [sflag:$0x9], $0x2000, s15, s0, $0x38;
	[tilespmem:$0x16400] =	vst v63  }
0xb9: {  	_ =	swait.ge [sflag:s1], $0x2000  }
0xba: {  	s12 =	rddreg [dreg:$0x9];
	[sflag:s1] =	ssyncset.done $0x0  }
0xbb: {  	[sflag:s1] =	ssyncadd.s32 $0xFFFFE000;
	s12 =	sadd.s32 s14, s12  }
0xbc: {  	[hbm4b:s12+s0] =	stream.strided.scatter [tilespmem:s17], [sflag:$0xA], $0x2000, s15, s0, $0x38;
	[tilespmem:$0x16400] =	vst v63  }
0xbd: {  	_ =	swait.ge [sflag:s18], $0x2000  }
0xbe: {  	s12 =	rddreg [dreg:$0x8];
	[sflag:s18] =	ssyncset.done $0x0  }
0xbf: {  	[sflag:s18] =	ssyncadd.s32 $0xFFFFE000;
	s12 =	sadd.s32 s14, s12  }
0xc0: {  	[hbm4b:s12+s0] =	stream.strided.scatter [tilespmem:s19], [sflag:$0xB], $0x2000, s15, s0, $0x38;
	[tilespmem:$0x16400] =	vst v63  }
0xc1: {  	_ =	swait.ge [sflag:s20], $0x2000  }
0xc2: {  	s12 =	rddreg [dreg:$0x7];
	[sflag:s20] =	ssyncset.done $0x0  }
0xc3: {  	[sflag:s20] =	ssyncadd.s32 $0xFFFFE000;
	s12 =	sadd.s32 s14, s12  }
0xc4: {  	[hbm4b:s12+s0] =	stream.strided.scatter [tilespmem:s21], [sflag:$0xC], $0x2000, s15, s0, $0x38;
	[tilespmem:$0x16400] =	vst v63  }
0xc5: {  	_ =	swait.ge [sflag:s22], $0x2000  }
0xc6: {  	s12 =	rddreg [dreg:$0x6];
	[sflag:s22] =	ssyncset.done $0x0  }
0xc7: {  	[sflag:s22] =	ssyncadd.s32 $0xFFFFE000;
	s12 =	sadd.s32 s14, s12  }
0xc8: {  	[hbm4b:s12+s0] =	stream.strided.scatter [tilespmem:s23], [sflag:$0xD], $0x2000, s15, s0, $0x38;
	[tilespmem:$0x16400] =	vst v63  }
0xc9: {  	_ =	swait.ge [sflag:s24], $0x2000  }
0xca: {  	s12 =	rddreg [dreg:$0x5];
	[sflag:s24] =	ssyncset.done $0x0  }
0xcb: {  	[sflag:s24] =	ssyncadd.s32 $0xFFFFE000;
	s12 =	sadd.s32 s14, s12  }
0xcc: {  	[hbm4b:s12+s0] =	stream.strided.scatter [tilespmem:s25], [sflag:$0xE], $0x2000, s15, s0, $0x38;
	[tilespmem:$0x16400] =	vst v63  }
0xcd: {  	_ =	swait.ge [sflag:s26], $0x2000  }
0xce: {  	p0 =	sne.s32 s13, $0x5C000;
	s12 =	rddreg [dreg:$0x4];
	[sflag:s26] =	ssyncset.done $0x0  }
.Ltmp0:
0xcf: {  	[sflag:s26] =	ssyncadd.s32 $0xFFFFE000;
	s12 =	sadd.s32 s14, s12;
	(pc) =	sbr.rel @p0 .LBB2_2-.Ltmp0, $4  }
0xd0: {  	[hbm4b:s12+s0] =	stream.strided.scatter [tilespmem:s28], [sflag:$0xF], $0x2000, s15, s0, $0x38;
	[tilespmem:$0x16400] =	vst v63  }
0xd1: {  	_ =	swait.ge [sflag:s29], $0x2000  }
0xd2: {  	s13 =	sadd.s32 $0x4000, s13;
	[sflag:s29] =	ssyncset.done $0x0;
	s12 =	rddreg [dreg:$0xb]  }
0xd3: {  	s5 =	sadd.s32 $0x400, s5;
	[sflag:s29] =	ssyncadd.s32 $0xFFFFE000;
	s14 =	sadd.s32 s14, s12  }
0xd4: {  	[hbm4b:s14+s0] =	stream.strided.scatter [tilespmem:s30], [sflag:$0x10], $0x2000, s15, s0, $0x38;
	[tilespmem:$0x16400] =	vst v63  }
0xd5: {  	_ =	swait.ge [sflag:s2], $0x2000  }
0xd6: {  	[sflag:s2] =	ssyncset.done $0x0  }
0xd7: {  	[sflag:s2] =	ssyncadd.s32 $0xFFFFE000  }
0xd8: {  	_ =	swait.ge [sflag:s4], $0x2000  }
0xd9: {  	[sflag:s4] =	ssyncset.done $0x0  }
0xda: {  	[sflag:s4] =	ssyncadd.s32 $0xFFFFE000  }
0xdb: {  	_ =	swait.ge [sflag:s6], $0x2000  }
0xdc: {  	[sflag:s6] =	ssyncset.done $0x0  }
0xdd: {  	[sflag:s6] =	ssyncadd.s32 $0xFFFFE000  }
0xde: {  	_ =	swait.ge [sflag:s7], $0x2000  }
0xdf: {  	[sflag:s7] =	ssyncset.done $0x0  }
0xe0: {  	[sflag:s7] =	ssyncadd.s32 $0xFFFFE000  }
0xe1: {  	_ =	swait.ge [sflag:s8], $0x2000  }
0xe2: {  	[sflag:s8] =	ssyncset.done $0x0  }
0xe3: {  	[sflag:s8] =	ssyncadd.s32 $0xFFFFE000  }
0xe4: {  	_ =	swait.ge [sflag:s9], $0x2000  }
0xe5: {  	[sflag:s9] =	ssyncset.done $0x0  }
0xe6: {  	[sflag:s9] =	ssyncadd.s32 $0xFFFFE000  }
0xe7: {  	_ =	swait.ge [sflag:s10], $0x2000  }
0xe8: {  	[sflag:s10] =	ssyncset.done $0x0  }
0xe9: {  	[sflag:s10] =	ssyncadd.s32 $0xFFFFE000  }
0xea: {  	_ =	swait.ge [sflag:s11], $0x2000  }
0xeb: {  	s12 =	rddreg [dreg:$0x16]  }
0xec: {  	s5 =	rddreg [dreg:$0x15];
	s12 =	sadd.s32 $0x1, s12  }
0xed: {  	p0 =	sne.s32 s12, s5  }
.Ltmp1:
0xee: {  	_ = 	snop;
	(pc) =	sbr.rel @p0 .LBB2_1-.Ltmp1, $3  }
0xef: {  	_ =	sdelay $0x1  }
0xf0: {  	[sflag:s11] =	ssyncset.done $0x0  }
0xf1: {  	[sflag:s11] =	ssyncadd.s32 $0xFFFFE000  }
0xf2: {  	_ =	sfence.sel $0x180000  }
0xf3: {  	[bflag:$0x0] =	sbarrier.arrive $0xFFFF  }
0xf4: {  	_ =	strace $0x90000047  }
0xf5: {  	s0 =	stileid.u32;
	[bflag:$0x2] =	sbarrier.arrive $0xFFFF  }
0xf6: {  	p0 =	sne.s32 s0, $0x0;
	s0 =	rddreg [dreg:$0x3]  }
0xf7: {  	s0 =	sadd.s32 @!p0 $0x100000, s0  }
0xf8: {  	[sflag:s0] =	ssyncadd.tile.s32 @!p0 $0x1;
	_ =	shalt  }
.Lfunc_end2:
_tile_overlayer_lowered:
.L_overlay_start_2:
0xf9: {  	(tag) =	ssettag $0x2  }
0xfa: {  	s0 =	rddreg [dreg:$0x0];
	s2 =	stileid.u32  }
0xfb: {  	s1 =	rddreg [dreg:$0x1];
	p0 =	sne.s32 s2, $0x0  }
0xfc: {  	s3 =	rddreg [dreg:$0x2];
	[bflag:$0x3] =	sbarrier.arrive $0xFFFF;
	s2 =	simm.s32 @!p0 $0x1C11  }
0xfd: {  	[timem:s3], [sflag:s2] =	dma.local @!p0 [hbm:s0], s1  }
0xfe: {  	s0 =	simm.s32 @!p0 $0x11  }
0xff: {  	_ =	swait.ge @!p0 [sflag:s0], s1  }
0x100: {  	s1 =	ssub.s32 @!p0 $0x0, s1;
	[sflag:s0] =	ssyncset.done @!p0 $0x0  }
0x101: {  	[sflag:s0] =	ssyncadd.s32 @!p0 s1  }
0x102: {  	[bflag:$0x3] =	sbarrier.arrive $0xFFFF  }
0x103: {  	_ =	shalt  }

</sc_bundles>
